<compile_context>
chip_gen: v7x
topology: tpu7x:2x2x1
jax: 0.10.2.dev20260603
libtpu: 0.0.44.dev20260713+nightly
codegen_flags: <defaults>
</compile_context>

<pallas_src>
import functools

import numpy as np
import jax
import jax.numpy as jnp
from jax import lax
from jax.experimental import pallas as pl
from jax.experimental.pallas import tpu as pltpu
from jax.experimental.pallas import tpu_sc as plsc

BATCH = 4
SEQ = 2048
D = 512
LANES = 16
NC = 2
NS = 16
NW = NC * NS
P = SEQ // NW
CH = 32
NCHUNK = BATCH * P // CH
NBUF = 6
SCALE = float(np.sqrt(float(D)))


def _pe_table() -> np.ndarray:
    position = np.arange(SEQ, dtype=np.float32)[:, None]
    div_term = np.exp(np.arange(0, D, 2, dtype=np.float32) * (-np.log(10000.0) / D))
    pe = np.zeros((SEQ, D), dtype=np.float32)
    pe[:, 0::2] = np.sin(position * div_term)
    pe[:, 1::2] = np.cos(position * div_term)
    return pe


def _pe_packed() -> np.ndarray:
    import ml_dtypes
    pe = _pe_table().reshape(SEQ, D // 32, 2, LANES)
    inter = pe.transpose(0, 1, 3, 2)
    u16 = inter.astype(ml_dtypes.bfloat16).view(np.uint16).astype(np.uint32)
    words = u16[..., 0] | (u16[..., 1] << np.uint32(16))
    return np.ascontiguousarray(words.reshape(SEQ * D // 2)).view(np.int32)


_PE = _pe_packed()

_mesh = plsc.VectorSubcoreMesh(core_axis_name="c", subcore_axis_name="s")


@functools.partial(
    pl.kernel,
    out_type=jax.ShapeDtypeStruct((BATCH * SEQ, D), jnp.float32),
    mesh=_mesh,
    scratch_types=[
        pltpu.VMEM((BATCH, P), jnp.int32),
        pltpu.VMEM((P * D // 2,), jnp.int32),
        [pltpu.VMEM((CH, D), jnp.float32) for _ in range(NBUF)],
        pltpu.SemaphoreType.DMA,
        pltpu.SemaphoreType.DMA,
        [pltpu.SemaphoreType.DMA for _ in range(NBUF)],
        [pltpu.SemaphoreType.DMA for _ in range(NBUF)],
    ],
)
def _fe_kernel(x_hbm, emb_hbm, pe_hbm, out_hbm,
               idx_v, pe_v, bufs, sem_idx, sem_pe, gsems, ssems):
    c = lax.axis_index("c")
    s = lax.axis_index("s")
    w = s * NC + c
    p0 = w * P

    idx_cps = [
        pltpu.async_copy(x_hbm.at[b, pl.ds(p0, P)], idx_v.at[b], sem_idx)
        for b in range(BATCH)
    ]
    pe_cp = pltpu.async_copy(pe_hbm.at[pl.ds(w * (P * D // 2), P * D // 2)], pe_v, sem_pe)

    def gather(ci):
        b, h = divmod(ci, P // CH)
        return pltpu.async_copy(
            emb_hbm.at[idx_v.at[b, pl.ds(h * CH, CH)]],
            bufs[ci % NBUF], gsems[ci % NBUF])

    def scatter(ci):
        b, h = divmod(ci, P // CH)
        return pltpu.async_copy(
            bufs[ci % NBUF],
            out_hbm.at[pl.ds(b * SEQ + p0 + h * CH, CH)],
            ssems[ci % NBUF])

    def scale_add(ci):
        buf = bufs[ci % NBUF]
        h = ci % (P // CH)
        ng = CH * D // 32
        gmask = D // 32 - 1

        @plsc.parallel_loop(0, ng, unroll=4)
        def _body(i):
            r = lax.shift_right_logical(i, 4)
            g32 = (i & gmask) * 32
            g16 = (i & gmask) * LANES
            w32 = pe_v[pl.ds((h * CH + r) * (D // 2) + g16, LANES)]
            lo = lax.bitcast_convert_type(w32 << 16, jnp.float32)
            hi = lax.bitcast_convert_type(w32 & jnp.int32(-65536), jnp.float32)
            sl0 = pl.ds(g32, LANES)
            sl1 = pl.ds(g32 + LANES, LANES)
            buf[r, sl0] = buf[r, sl0] * SCALE + lo
            buf[r, sl1] = buf[r, sl1] * SCALE + hi

    gathers = [None] * NCHUNK
    scatters = [None] * NCHUNK
    idx_waited = [False] * BATCH
    for ci in range(NBUF):
        b = ci // (P // CH)
        if not idx_waited[b]:
            idx_cps[b].wait()
            idx_waited[b] = True
        gathers[ci] = gather(ci)
    for b in range(BATCH):
        if not idx_waited[b]:
            idx_cps[b].wait()
            idx_waited[b] = True
    pe_cp.wait()
    for ci in range(NCHUNK):
        if ci >= 1 and ci + NBUF - 1 < NCHUNK:
            scatters[ci - 1].wait()
            gathers[ci + NBUF - 1] = gather(ci + NBUF - 1)
        gathers[ci].wait()
        scale_add(ci)
        scatters[ci] = scatter(ci)
    for ci in range(NCHUNK - NBUF, NCHUNK):
        scatters[ci].wait()


def kernel(x, emb):
    pe = jnp.asarray(_PE)
    out = _fe_kernel(x.astype(jnp.int32), emb, pe)
    return out.reshape(BATCH, SEQ, D)

# --- scband reference (transcript-rebuilt; emitter-appended) ---
"""Pipeline reference for scband-final-encoding-17437567222164 (READ-ONLY COPY).

The authoritative reference and input builder live on the scoring server;
editing this copy changes nothing except your own understanding.
"""

import jax, jax.numpy as jnp
import numpy as np

VOCAB = 37000
D_MODEL = 512


def setup_inputs(seed: int = 0) -> dict:
    key = jax.random.key(seed)
    k1, k2 = jax.random.split(key)
    x = jax.random.randint(k1, (4, 2048), 0, VOCAB, dtype=jnp.int64 if jax.config.jax_enable_x64 else jnp.int32)
    emb = jax.random.normal(k2, (VOCAB, D_MODEL), dtype=jnp.float32)
    return {"x": x, "emb": emb}


def _pos_encoding(seq_len, d_model):
    position = jnp.arange(seq_len, dtype=jnp.float32)[:, None]
    div_term = jnp.exp(jnp.arange(0, d_model, 2).astype(jnp.float32) * (-np.log(10000.0) / d_model))
    pe = jnp.zeros((seq_len, d_model), dtype=jnp.float32)
    pe = pe.at[:, 0::2].set(jnp.sin(position * div_term))
    pe = pe.at[:, 1::2].set(jnp.cos(position * div_term))
    return pe[None, :, :]


def reference(x, emb):
    d_model = emb.shape[1]
    h = jnp.take(emb, x, axis=0) * jnp.sqrt(jnp.float32(d_model))
    pe = _pos_encoding(x.shape[1], d_model)
    return h + pe

if __name__ == "__main__":
    import jax
    _d = setup_inputs()
    print(jax.jit(kernel)(*tuple(_d.values())))

</pallas_src>

<mosaic_0001>
#map = affine_map<(d0, d1) -> (0, 0)>
#map1 = affine_map<(d0, d1) -> (0)>
module attributes {stable_mosaic.version = 14 : i64} {
  func.func @_fe_kernel(%arg0: i32, %arg1: i32, %arg2: memref<4x2048xi32, #tpu.memory_space<hbm>>, %arg3: memref<37000x512xf32, #tpu.memory_space<hbm>>, %arg4: memref<524288xi32, #tpu.memory_space<hbm>>, %arg5: memref<8192x512xf32, #tpu.memory_space<hbm>>, %arg6: memref<4x64xi32, #tpu.memory_space<vmem>>, %arg7: memref<16384xi32, #tpu.memory_space<vmem>>, %arg8: memref<32x512xf32, #tpu.memory_space<vmem>>, %arg9: memref<32x512xf32, #tpu.memory_space<vmem>>, %arg10: memref<32x512xf32, #tpu.memory_space<vmem>>, %arg11: memref<32x512xf32, #tpu.memory_space<vmem>>, %arg12: memref<32x512xf32, #tpu.memory_space<vmem>>, %arg13: memref<32x512xf32, #tpu.memory_space<vmem>>, %arg14: memref<!tpu.dma_semaphore, #tpu.memory_space<semaphore_mem>>, %arg15: memref<!tpu.dma_semaphore, #tpu.memory_space<semaphore_mem>>, %arg16: memref<!tpu.dma_semaphore, #tpu.memory_space<semaphore_mem>>, %arg17: memref<!tpu.dma_semaphore, #tpu.memory_space<semaphore_mem>>, %arg18: memref<!tpu.dma_semaphore, #tpu.memory_space<semaphore_mem>>, %arg19: memref<!tpu.dma_semaphore, #tpu.memory_space<semaphore_mem>>, %arg20: memref<!tpu.dma_semaphore, #tpu.memory_space<semaphore_mem>>, %arg21: memref<!tpu.dma_semaphore, #tpu.memory_space<semaphore_mem>>, %arg22: memref<!tpu.dma_semaphore, #tpu.memory_space<semaphore_mem>>, %arg23: memref<!tpu.dma_semaphore, #tpu.memory_space<semaphore_mem>>, %arg24: memref<!tpu.dma_semaphore, #tpu.memory_space<semaphore_mem>>, %arg25: memref<!tpu.dma_semaphore, #tpu.memory_space<semaphore_mem>>, %arg26: memref<!tpu.dma_semaphore, #tpu.memory_space<semaphore_mem>>, %arg27: memref<!tpu.dma_semaphore, #tpu.memory_space<semaphore_mem>>) attributes {dimension_semantics = [#tpu.dimension_semantics<core_parallel>, #tpu.dimension_semantics<subcore_parallel>], iteration_bounds = array<i64: 2, 16>, scalar_prefetch = 0 : i64, scratch_operands = 22 : i64, tpu.core_type = #tpu.core_type<sc_vector_subcore>, window_params = [{transform_indices = #map}, {transform_indices = #map}, {transform_indices = #map1}, {transform_indices = #map}]} {
    %mul3A = arith.constant 2 : i32
    %mul3A_0 = arith.muli %arg1, %mul3A : i32
    %add3A = arith.addi %mul3A_0, %arg0 : i32
    %mul3A_1 = arith.constant 64 : i32
    %mul3A_2 = arith.muli %add3A, %mul3A_1 : i32
    %dma_start3A = arith.constant 0 : i32
    %dma_start3A_3 = arith.constant 0 : i32
    %dma_start3A_4 = arith.constant 0 : i32
    %dma_start3A_5 = tpu.memref_slice %arg6[%dma_start3A_3, %dma_start3A_4] : memref<4x64xi32, #tpu.memory_space<vmem>> -> memref<1x64xi32, #tpu.memory_space<vmem>>
    %dma_start3A_6 = tpu.memref_squeeze %dma_start3A_5 : memref<1x64xi32, #tpu.memory_space<vmem>> -> memref<64xi32, #tpu.memory_space<vmem>>
    %dma_start3A_7 = tpu.memref_slice %arg2[%dma_start3A, %mul3A_2] : memref<4x2048xi32, #tpu.memory_space<hbm>> -> memref<1x64xi32, #tpu.memory_space<hbm>>
    %dma_start3A_8 = tpu.memref_squeeze %dma_start3A_7 : memref<1x64xi32, #tpu.memory_space<hbm>> -> memref<64xi32, #tpu.memory_space<hbm>>
    %dma_start3A_9 = arith.constant 0 : i32
    %dma_start3A_10 = tpu.memref_slice %arg6[%dma_start3A_3, %dma_start3A_9] : memref<4x64xi32, #tpu.memory_space<vmem>> -> memref<1x64xi32, #tpu.memory_space<vmem>>
    %dma_start3A_11 = tpu.memref_squeeze %dma_start3A_10 : memref<1x64xi32, #tpu.memory_space<vmem>> -> memref<64xi32, #tpu.memory_space<vmem>>
    %dma_start3A_12 = tpu.memref_slice %arg2[%dma_start3A, %mul3A_2] : memref<4x2048xi32, #tpu.memory_space<hbm>> -> memref<1x64xi32, #tpu.memory_space<hbm>>
    %dma_start3A_13 = tpu.memref_squeeze %dma_start3A_12 : memref<1x64xi32, #tpu.memory_space<hbm>> -> memref<64xi32, #tpu.memory_space<hbm>>
    tpu.enqueue_dma source(%dma_start3A_13 : memref<64xi32, #tpu.memory_space<hbm>>) target(%dma_start3A_11 : memref<64xi32, #tpu.memory_space<vmem>>) target_semaphore(%arg14 : memref<!tpu.dma_semaphore, #tpu.memory_space<semaphore_mem>>)
    %dma_start3A_14 = arith.constant 1 : i32
    %dma_start3A_15 = arith.constant 1 : i32
    %dma_start3A_16 = arith.constant 0 : i32
    %dma_start3A_17 = tpu.memref_slice %arg6[%dma_start3A_15, %dma_start3A_16] : memref<4x64xi32, #tpu.memory_space<vmem>> -> memref<1x64xi32, #tpu.memory_space<vmem>>
    %dma_start3A_18 = tpu.memref_squeeze %dma_start3A_17 : memref<1x64xi32, #tpu.memory_space<vmem>> -> memref<64xi32, #tpu.memory_space<vmem>>
    %dma_start3A_19 = tpu.memref_slice %arg2[%dma_start3A_14, %mul3A_2] : memref<4x2048xi32, #tpu.memory_space<hbm>> -> memref<1x64xi32, #tpu.memory_space<hbm>>
    %dma_start3A_20 = tpu.memref_squeeze %dma_start3A_19 : memref<1x64xi32, #tpu.memory_space<hbm>> -> memref<64xi32, #tpu.memory_space<hbm>>
    %dma_start3A_21 = arith.constant 0 : i32
    %dma_start3A_22 = tpu.memref_slice %arg6[%dma_start3A_15, %dma_start3A_21] : memref<4x64xi32, #tpu.memory_space<vmem>> -> memref<1x64xi32, #tpu.memory_space<vmem>>
    %dma_start3A_23 = tpu.memref_squeeze %dma_start3A_22 : memref<1x64xi32, #tpu.memory_space<vmem>> -> memref<64xi32, #tpu.memory_space<vmem>>
    %dma_start3A_24 = tpu.memref_slice %arg2[%dma_start3A_14, %mul3A_2] : memref<4x2048xi32, #tpu.memory_space<hbm>> -> memref<1x64xi32, #tpu.memory_space<hbm>>
    %dma_start3A_25 = tpu.memref_squeeze %dma_start3A_24 : memref<1x64xi32, #tpu.memory_space<hbm>> -> memref<64xi32, #tpu.memory_space<hbm>>
    tpu.enqueue_dma source(%dma_start3A_25 : memref<64xi32, #tpu.memory_space<hbm>>) target(%dma_start3A_23 : memref<64xi32, #tpu.memory_space<vmem>>) target_semaphore(%arg14 : memref<!tpu.dma_semaphore, #tpu.memory_space<semaphore_mem>>)
    %dma_start3A_26 = arith.constant 2 : i32
    %dma_start3A_27 = arith.constant 2 : i32
    %dma_start3A_28 = arith.constant 0 : i32
    %dma_start3A_29 = tpu.memref_slice %arg6[%dma_start3A_27, %dma_start3A_28] : memref<4x64xi32, #tpu.memory_space<vmem>> -> memref<1x64xi32, #tpu.memory_space<vmem>>
    %dma_start3A_30 = tpu.memref_squeeze %dma_start3A_29 : memref<1x64xi32, #tpu.memory_space<vmem>> -> memref<64xi32, #tpu.memory_space<vmem>>
    %dma_start3A_31 = tpu.memref_slice %arg2[%dma_start3A_26, %mul3A_2] : memref<4x2048xi32, #tpu.memory_space<hbm>> -> memref<1x64xi32, #tpu.memory_space<hbm>>
    %dma_start3A_32 = tpu.memref_squeeze %dma_start3A_31 : memref<1x64xi32, #tpu.memory_space<hbm>> -> memref<64xi32, #tpu.memory_space<hbm>>
    %dma_start3A_33 = arith.constant 0 : i32
    %dma_start3A_34 = tpu.memref_slice %arg6[%dma_start3A_27, %dma_start3A_33] : memref<4x64xi32, #tpu.memory_space<vmem>> -> memref<1x64xi32, #tpu.memory_space<vmem>>
    %dma_start3A_35 = tpu.memref_squeeze %dma_start3A_34 : memref<1x64xi32, #tpu.memory_space<vmem>> -> memref<64xi32, #tpu.memory_space<vmem>>
    %dma_start3A_36 = tpu.memref_slice %arg2[%dma_start3A_26, %mul3A_2] : memref<4x2048xi32, #tpu.memory_space<hbm>> -> memref<1x64xi32, #tpu.memory_space<hbm>>
    %dma_start3A_37 = tpu.memref_squeeze %dma_start3A_36 : memref<1x64xi32, #tpu.memory_space<hbm>> -> memref<64xi32, #tpu.memory_space<hbm>>
    tpu.enqueue_dma source(%dma_start3A_37 : memref<64xi32, #tpu.memory_space<hbm>>) target(%dma_start3A_35 : memref<64xi32, #tpu.memory_space<vmem>>) target_semaphore(%arg14 : memref<!tpu.dma_semaphore, #tpu.memory_space<semaphore_mem>>)
    %dma_start3A_38 = arith.constant 3 : i32
    %dma_start3A_39 = arith.constant 3 : i32
    %dma_start3A_40 = arith.constant 0 : i32
    %dma_start3A_41 = tpu.memref_slice %arg6[%dma_start3A_39, %dma_start3A_40] : memref<4x64xi32, #tpu.memory_space<vmem>> -> memref<1x64xi32, #tpu.memory_space<vmem>>
    %dma_start3A_42 = tpu.memref_squeeze %dma_start3A_41 : memref<1x64xi32, #tpu.memory_space<vmem>> -> memref<64xi32, #tpu.memory_space<vmem>>
    %dma_start3A_43 = tpu.memref_slice %arg2[%dma_start3A_38, %mul3A_2] : memref<4x2048xi32, #tpu.memory_space<hbm>> -> memref<1x64xi32, #tpu.memory_space<hbm>>
    %dma_start3A_44 = tpu.memref_squeeze %dma_start3A_43 : memref<1x64xi32, #tpu.memory_space<hbm>> -> memref<64xi32, #tpu.memory_space<hbm>>
    %dma_start3A_45 = arith.constant 0 : i32
    %dma_start3A_46 = tpu.memref_slice %arg6[%dma_start3A_39, %dma_start3A_45] : memref<4x64xi32, #tpu.memory_space<vmem>> -> memref<1x64xi32, #tpu.memory_space<vmem>>
    %dma_start3A_47 = tpu.memref_squeeze %dma_start3A_46 : memref<1x64xi32, #tpu.memory_space<vmem>> -> memref<64xi32, #tpu.memory_space<vmem>>
    %dma_start3A_48 = tpu.memref_slice %arg2[%dma_start3A_38, %mul3A_2] : memref<4x2048xi32, #tpu.memory_space<hbm>> -> memref<1x64xi32, #tpu.memory_space<hbm>>
    %dma_start3A_49 = tpu.memref_squeeze %dma_start3A_48 : memref<1x64xi32, #tpu.memory_space<hbm>> -> memref<64xi32, #tpu.memory_space<hbm>>
    tpu.enqueue_dma source(%dma_start3A_49 : memref<64xi32, #tpu.memory_space<hbm>>) target(%dma_start3A_47 : memref<64xi32, #tpu.memory_space<vmem>>) target_semaphore(%arg14 : memref<!tpu.dma_semaphore, #tpu.memory_space<semaphore_mem>>)
    %mul3A_50 = arith.constant 16384 : i32
    %mul3A_51 = arith.muli %add3A, %mul3A_50 : i32
    %dma_start3A_52 = tpu.memref_slice %arg4[%mul3A_51] : memref<524288xi32, #tpu.memory_space<hbm>> -> memref<16384xi32, #tpu.memory_space<hbm>>
    %dma_start3A_53 = tpu.memref_slice %arg4[%mul3A_51] : memref<524288xi32, #tpu.memory_space<hbm>> -> memref<16384xi32, #tpu.memory_space<hbm>>
    tpu.enqueue_dma source(%dma_start3A_53 : memref<16384xi32, #tpu.memory_space<hbm>>) target(%arg7 : memref<16384xi32, #tpu.memory_space<vmem>>) target_semaphore(%arg15 : memref<!tpu.dma_semaphore, #tpu.memory_space<semaphore_mem>>)
    %dma_wait3A = arith.constant 0 : i32
    %dma_wait3A_54 = arith.constant 0 : i32
    %dma_wait3A_55 = arith.constant 0 : i32
    %dma_wait3A_56 = tpu.memref_slice %arg6[%dma_wait3A_54, %dma_wait3A_55] : memref<4x64xi32, #tpu.memory_space<vmem>> -> memref<1x64xi32, #tpu.memory_space<vmem>>
    %dma_wait3A_57 = tpu.memref_squeeze %dma_wait3A_56 : memref<1x64xi32, #tpu.memory_space<vmem>> -> memref<64xi32, #tpu.memory_space<vmem>>
    %dma_wait3A_58 = tpu.memref_slice %arg2[%dma_wait3A, %mul3A_2] : memref<4x2048xi32, #tpu.memory_space<hbm>> -> memref<1x64xi32, #tpu.memory_space<hbm>>
    %dma_wait3A_59 = tpu.memref_squeeze %dma_wait3A_58 : memref<1x64xi32, #tpu.memory_space<hbm>> -> memref<64xi32, #tpu.memory_space<hbm>>
    %dma_wait3A_60 = arith.constant 0 : i32
    %dma_wait3A_61 = tpu.memref_slice %arg6[%dma_wait3A_54, %dma_wait3A_60] : memref<4x64xi32, #tpu.memory_space<vmem>> -> memref<1x64xi32, #tpu.memory_space<vmem>>
    %dma_wait3A_62 = tpu.memref_squeeze %dma_wait3A_61 : memref<1x64xi32, #tpu.memory_space<vmem>> -> memref<64xi32, #tpu.memory_space<vmem>>
    %dma_wait3A_63 = tpu.memref_slice %arg2[%dma_wait3A, %mul3A_2] : memref<4x2048xi32, #tpu.memory_space<hbm>> -> memref<1x64xi32, #tpu.memory_space<hbm>>
    %dma_wait3A_64 = tpu.memref_squeeze %dma_wait3A_63 : memref<1x64xi32, #tpu.memory_space<hbm>> -> memref<64xi32, #tpu.memory_space<hbm>>
    tpu.wait_dma2 semaphore(%arg14 : memref<!tpu.dma_semaphore, #tpu.memory_space<semaphore_mem>>) src(%dma_wait3A_64 : memref<64xi32, #tpu.memory_space<hbm>>) dst(%dma_wait3A_62 : memref<64xi32, #tpu.memory_space<vmem>>)
    %dma_start3A_65 = arith.constant 0 : i32
    %dma_start3A_66 = arith.constant 0 : i32
    %dma_start3A_67 = tpu.memref_slice %arg6[%dma_start3A_65, %dma_start3A_66] : memref<4x64xi32, #tpu.memory_space<vmem>> -> memref<1x32xi32, #tpu.memory_space<vmem>>
    %dma_start3A_68 = tpu.memref_squeeze %dma_start3A_67 : memref<1x32xi32, #tpu.memory_space<vmem>> -> memref<32xi32, #tpu.memory_space<vmem>>
    %dma_start3A_69 = arith.constant 0 : i32
    %dma_start3A_70 = arith.constant 0 : i32
    %dma_start3A_71 = tpu.memref_slice %arg3[%dma_start3A_69, %dma_start3A_70] : memref<37000x512xf32, #tpu.memory_space<hbm>> -> memref<37000x512xf32, #tpu.memory_space<hbm>>
    tpu.enqueue_indirect_dma source(%dma_start3A_71 : memref<37000x512xf32, #tpu.memory_space<hbm>>) target(%arg8 : memref<32x512xf32, #tpu.memory_space<vmem>>) offsets(%dma_start3A_68 : memref<32xi32, #tpu.memory_space<vmem>>) semaphore(%arg16 : memref<!tpu.dma_semaphore, #tpu.memory_space<semaphore_mem>>)
    %dma_start3A_72 = arith.constant 0 : i32
    %dma_start3A_73 = arith.constant 32 : i32
    %dma_start3A_74 = tpu.memref_slice %arg6[%dma_start3A_72, %dma_start3A_73] : memref<4x64xi32, #tpu.memory_space<vmem>> -> memref<1x32xi32, #tpu.memory_space<vmem>>
    %dma_start3A_75 = tpu.memref_squeeze %dma_start3A_74 : memref<1x32xi32, #tpu.memory_space<vmem>> -> memref<32xi32, #tpu.memory_space<vmem>>
    %dma_start3A_76 = arith.constant 0 : i32
    %dma_start3A_77 = arith.constant 0 : i32
    %dma_start3A_78 = tpu.memref_slice %arg3[%dma_start3A_76, %dma_start3A_77] : memref<37000x512xf32, #tpu.memory_space<hbm>> -> memref<37000x512xf32, #tpu.memory_space<hbm>>
    tpu.enqueue_indirect_dma source(%dma_start3A_78 : memref<37000x512xf32, #tpu.memory_space<hbm>>) target(%arg9 : memref<32x512xf32, #tpu.memory_space<vmem>>) offsets(%dma_start3A_75 : memref<32xi32, #tpu.memory_space<vmem>>) semaphore(%arg17 : memref<!tpu.dma_semaphore, #tpu.memory_space<semaphore_mem>>)
    %dma_wait3A_79 = arith.constant 1 : i32
    %dma_wait3A_80 = arith.constant 1 : i32
    %dma_wait3A_81 = arith.constant 0 : i32
    %dma_wait3A_82 = tpu.memref_slice %arg6[%dma_wait3A_80, %dma_wait3A_81] : memref<4x64xi32, #tpu.memory_space<vmem>> -> memref<1x64xi32, #tpu.memory_space<vmem>>
    %dma_wait3A_83 = tpu.memref_squeeze %dma_wait3A_82 : memref<1x64xi32, #tpu.memory_space<vmem>> -> memref<64xi32, #tpu.memory_space<vmem>>
    %dma_wait3A_84 = tpu.memref_slice %arg2[%dma_wait3A_79, %mul3A_2] : memref<4x2048xi32, #tpu.memory_space<hbm>> -> memref<1x64xi32, #tpu.memory_space<hbm>>
    %dma_wait3A_85 = tpu.memref_squeeze %dma_wait3A_84 : memref<1x64xi32, #tpu.memory_space<hbm>> -> memref<64xi32, #tpu.memory_space<hbm>>
    %dma_wait3A_86 = arith.constant 0 : i32
    %dma_wait3A_87 = tpu.memref_slice %arg6[%dma_wait3A_80, %dma_wait3A_86] : memref<4x64xi32, #tpu.memory_space<vmem>> -> memref<1x64xi32, #tpu.memory_space<vmem>>
    %dma_wait3A_88 = tpu.memref_squeeze %dma_wait3A_87 : memref<1x64xi32, #tpu.memory_space<vmem>> -> memref<64xi32, #tpu.memory_space<vmem>>
    %dma_wait3A_89 = tpu.memref_slice %arg2[%dma_wait3A_79, %mul3A_2] : memref<4x2048xi32, #tpu.memory_space<hbm>> -> memref<1x64xi32, #tpu.memory_space<hbm>>
    %dma_wait3A_90 = tpu.memref_squeeze %dma_wait3A_89 : memref<1x64xi32, #tpu.memory_space<hbm>> -> memref<64xi32, #tpu.memory_space<hbm>>
    tpu.wait_dma2 semaphore(%arg14 : memref<!tpu.dma_semaphore, #tpu.memory_space<semaphore_mem>>) src(%dma_wait3A_90 : memref<64xi32, #tpu.memory_space<hbm>>) dst(%dma_wait3A_88 : memref<64xi32, #tpu.memory_space<vmem>>)
    %dma_start3A_91 = arith.constant 1 : i32
    %dma_start3A_92 = arith.constant 0 : i32
    %dma_start3A_93 = tpu.memref_slice %arg6[%dma_start3A_91, %dma_start3A_92] : memref<4x64xi32, #tpu.memory_space<vmem>> -> memref<1x32xi32, #tpu.memory_space<vmem>>
    %dma_start3A_94 = tpu.memref_squeeze %dma_start3A_93 : memref<1x32xi32, #tpu.memory_space<vmem>> -> memref<32xi32, #tpu.memory_space<vmem>>
    %dma_start3A_95 = arith.constant 0 : i32
    %dma_start3A_96 = arith.constant 0 : i32
    %dma_start3A_97 = tpu.memref_slice %arg3[%dma_start3A_95, %dma_start3A_96] : memref<37000x512xf32, #tpu.memory_space<hbm>> -> memref<37000x512xf32, #tpu.memory_space<hbm>>
    tpu.enqueue_indirect_dma source(%dma_start3A_97 : memref<37000x512xf32, #tpu.memory_space<hbm>>) target(%arg10 : memref<32x512xf32, #tpu.memory_space<vmem>>) offsets(%dma_start3A_94 : memref<32xi32, #tpu.memory_space<vmem>>) semaphore(%arg18 : memref<!tpu.dma_semaphore, #tpu.memory_space<semaphore_mem>>)
    %dma_start3A_98 = arith.constant 1 : i32
    %dma_start3A_99 = arith.constant 32 : i32
    %dma_start3A_100 = tpu.memref_slice %arg6[%dma_start3A_98, %dma_start3A_99] : memref<4x64xi32, #tpu.memory_space<vmem>> -> memref<1x32xi32, #tpu.memory_space<vmem>>
    %dma_start3A_101 = tpu.memref_squeeze %dma_start3A_100 : memref<1x32xi32, #tpu.memory_space<vmem>> -> memref<32xi32, #tpu.memory_space<vmem>>
    %dma_start3A_102 = arith.constant 0 : i32
    %dma_start3A_103 = arith.constant 0 : i32
    %dma_start3A_104 = tpu.memref_slice %arg3[%dma_start3A_102, %dma_start3A_103] : memref<37000x512xf32, #tpu.memory_space<hbm>> -> memref<37000x512xf32, #tpu.memory_space<hbm>>
    tpu.enqueue_indirect_dma source(%dma_start3A_104 : memref<37000x512xf32, #tpu.memory_space<hbm>>) target(%arg11 : memref<32x512xf32, #tpu.memory_space<vmem>>) offsets(%dma_start3A_101 : memref<32xi32, #tpu.memory_space<vmem>>) semaphore(%arg19 : memref<!tpu.dma_semaphore, #tpu.memory_space<semaphore_mem>>)
    %dma_wait3A_105 = arith.constant 2 : i32
    %dma_wait3A_106 = arith.constant 2 : i32
    %dma_wait3A_107 = arith.constant 0 : i32
    %dma_wait3A_108 = tpu.memref_slice %arg6[%dma_wait3A_106, %dma_wait3A_107] : memref<4x64xi32, #tpu.memory_space<vmem>> -> memref<1x64xi32, #tpu.memory_space<vmem>>
    %dma_wait3A_109 = tpu.memref_squeeze %dma_wait3A_108 : memref<1x64xi32, #tpu.memory_space<vmem>> -> memref<64xi32, #tpu.memory_space<vmem>>
    %dma_wait3A_110 = tpu.memref_slice %arg2[%dma_wait3A_105, %mul3A_2] : memref<4x2048xi32, #tpu.memory_space<hbm>> -> memref<1x64xi32, #tpu.memory_space<hbm>>
    %dma_wait3A_111 = tpu.memref_squeeze %dma_wait3A_110 : memref<1x64xi32, #tpu.memory_space<hbm>> -> memref<64xi32, #tpu.memory_space<hbm>>
    %dma_wait3A_112 = arith.constant 0 : i32
    %dma_wait3A_113 = tpu.memref_slice %arg6[%dma_wait3A_106, %dma_wait3A_112] : memref<4x64xi32, #tpu.memory_space<vmem>> -> memref<1x64xi32, #tpu.memory_space<vmem>>
    %dma_wait3A_114 = tpu.memref_squeeze %dma_wait3A_113 : memref<1x64xi32, #tpu.memory_space<vmem>> -> memref<64xi32, #tpu.memory_space<vmem>>
    %dma_wait3A_115 = tpu.memref_slice %arg2[%dma_wait3A_105, %mul3A_2] : memref<4x2048xi32, #tpu.memory_space<hbm>> -> memref<1x64xi32, #tpu.memory_space<hbm>>
    %dma_wait3A_116 = tpu.memref_squeeze %dma_wait3A_115 : memref<1x64xi32, #tpu.memory_space<hbm>> -> memref<64xi32, #tpu.memory_space<hbm>>
    tpu.wait_dma2 semaphore(%arg14 : memref<!tpu.dma_semaphore, #tpu.memory_space<semaphore_mem>>) src(%dma_wait3A_116 : memref<64xi32, #tpu.memory_space<hbm>>) dst(%dma_wait3A_114 : memref<64xi32, #tpu.memory_space<vmem>>)
    %dma_start3A_117 = arith.constant 2 : i32
    %dma_start3A_118 = arith.constant 0 : i32
    %dma_start3A_119 = tpu.memref_slice %arg6[%dma_start3A_117, %dma_start3A_118] : memref<4x64xi32, #tpu.memory_space<vmem>> -> memref<1x32xi32, #tpu.memory_space<vmem>>
    %dma_start3A_120 = tpu.memref_squeeze %dma_start3A_119 : memref<1x32xi32, #tpu.memory_space<vmem>> -> memref<32xi32, #tpu.memory_space<vmem>>
    %dma_start3A_121 = arith.constant 0 : i32
    %dma_start3A_122 = arith.constant 0 : i32
    %dma_start3A_123 = tpu.memref_slice %arg3[%dma_start3A_121, %dma_start3A_122] : memref<37000x512xf32, #tpu.memory_space<hbm>> -> memref<37000x512xf32, #tpu.memory_space<hbm>>
    tpu.enqueue_indirect_dma source(%dma_start3A_123 : memref<37000x512xf32, #tpu.memory_space<hbm>>) target(%arg12 : memref<32x512xf32, #tpu.memory_space<vmem>>) offsets(%dma_start3A_120 : memref<32xi32, #tpu.memory_space<vmem>>) semaphore(%arg20 : memref<!tpu.dma_semaphore, #tpu.memory_space<semaphore_mem>>)
    %dma_start3A_124 = arith.constant 2 : i32
    %dma_start3A_125 = arith.constant 32 : i32
    %dma_start3A_126 = tpu.memref_slice %arg6[%dma_start3A_124, %dma_start3A_125] : memref<4x64xi32, #tpu.memory_space<vmem>> -> memref<1x32xi32, #tpu.memory_space<vmem>>
    %dma_start3A_127 = tpu.memref_squeeze %dma_start3A_126 : memref<1x32xi32, #tpu.memory_space<vmem>> -> memref<32xi32, #tpu.memory_space<vmem>>
    %dma_start3A_128 = arith.constant 0 : i32
    %dma_start3A_129 = arith.constant 0 : i32
    %dma_start3A_130 = tpu.memref_slice %arg3[%dma_start3A_128, %dma_start3A_129] : memref<37000x512xf32, #tpu.memory_space<hbm>> -> memref<37000x512xf32, #tpu.memory_space<hbm>>
    tpu.enqueue_indirect_dma source(%dma_start3A_130 : memref<37000x512xf32, #tpu.memory_space<hbm>>) target(%arg13 : memref<32x512xf32, #tpu.memory_space<vmem>>) offsets(%dma_start3A_127 : memref<32xi32, #tpu.memory_space<vmem>>) semaphore(%arg21 : memref<!tpu.dma_semaphore, #tpu.memory_space<semaphore_mem>>)
    %dma_wait3A_131 = arith.constant 3 : i32
    %dma_wait3A_132 = arith.constant 3 : i32
    %dma_wait3A_133 = arith.constant 0 : i32
    %dma_wait3A_134 = tpu.memref_slice %arg6[%dma_wait3A_132, %dma_wait3A_133] : memref<4x64xi32, #tpu.memory_space<vmem>> -> memref<1x64xi32, #tpu.memory_space<vmem>>
    %dma_wait3A_135 = tpu.memref_squeeze %dma_wait3A_134 : memref<1x64xi32, #tpu.memory_space<vmem>> -> memref<64xi32, #tpu.memory_space<vmem>>
    %dma_wait3A_136 = tpu.memref_slice %arg2[%dma_wait3A_131, %mul3A_2] : memref<4x2048xi32, #tpu.memory_space<hbm>> -> memref<1x64xi32, #tpu.memory_space<hbm>>
    %dma_wait3A_137 = tpu.memref_squeeze %dma_wait3A_136 : memref<1x64xi32, #tpu.memory_space<hbm>> -> memref<64xi32, #tpu.memory_space<hbm>>
    %dma_wait3A_138 = arith.constant 0 : i32
    %dma_wait3A_139 = tpu.memref_slice %arg6[%dma_wait3A_132, %dma_wait3A_138] : memref<4x64xi32, #tpu.memory_space<vmem>> -> memref<1x64xi32, #tpu.memory_space<vmem>>
    %dma_wait3A_140 = tpu.memref_squeeze %dma_wait3A_139 : memref<1x64xi32, #tpu.memory_space<vmem>> -> memref<64xi32, #tpu.memory_space<vmem>>
    %dma_wait3A_141 = tpu.memref_slice %arg2[%dma_wait3A_131, %mul3A_2] : memref<4x2048xi32, #tpu.memory_space<hbm>> -> memref<1x64xi32, #tpu.memory_space<hbm>>
    %dma_wait3A_142 = tpu.memref_squeeze %dma_wait3A_141 : memref<1x64xi32, #tpu.memory_space<hbm>> -> memref<64xi32, #tpu.memory_space<hbm>>
    tpu.wait_dma2 semaphore(%arg14 : memref<!tpu.dma_semaphore, #tpu.memory_space<semaphore_mem>>) src(%dma_wait3A_142 : memref<64xi32, #tpu.memory_space<hbm>>) dst(%dma_wait3A_140 : memref<64xi32, #tpu.memory_space<vmem>>)
    %dma_wait3A_143 = tpu.memref_slice %arg4[%mul3A_51] : memref<524288xi32, #tpu.memory_space<hbm>> -> memref<16384xi32, #tpu.memory_space<hbm>>
    %dma_wait3A_144 = tpu.memref_slice %arg4[%mul3A_51] : memref<524288xi32, #tpu.memory_space<hbm>> -> memref<16384xi32, #tpu.memory_space<hbm>>
    tpu.wait_dma2 semaphore(%arg15 : memref<!tpu.dma_semaphore, #tpu.memory_space<semaphore_mem>>) src(%dma_wait3A_144 : memref<16384xi32, #tpu.memory_space<hbm>>) dst(%arg7 : memref<16384xi32, #tpu.memory_space<vmem>>)
    %dma_wait3A_145 = arith.constant 0 : i32
    %dma_wait3A_146 = arith.constant 0 : i32
    %dma_wait3A_147 = tpu.memref_slice %arg6[%dma_wait3A_145, %dma_wait3A_146] : memref<4x64xi32, #tpu.memory_space<vmem>> -> memref<1x32xi32, #tpu.memory_space<vmem>>
    %dma_wait3A_148 = tpu.memref_squeeze %dma_wait3A_147 : memref<1x32xi32, #tpu.memory_space<vmem>> -> memref<32xi32, #tpu.memory_space<vmem>>
    %dma_wait3A_149 = arith.constant 0 : i32
    %dma_wait3A_150 = arith.constant 0 : i32
    %dma_wait3A_151 = tpu.memref_slice %arg3[%dma_wait3A_149, %dma_wait3A_150] : memref<37000x512xf32, #tpu.memory_space<hbm>> -> memref<37000x512xf32, #tpu.memory_space<hbm>>
    tpu.wait_indirect_dma semaphore(%arg16 : memref<!tpu.dma_semaphore, #tpu.memory_space<semaphore_mem>>) src(%dma_wait3A_151 : memref<37000x512xf32, #tpu.memory_space<hbm>>) dst(%arg8 : memref<32x512xf32, #tpu.memory_space<vmem>>)
    %parallel_loop3A = arith.constant 0 : i32
    %parallel_loop3A_152 = arith.constant 512 : i32
    %parallel_loop3A_153 = arith.constant 1 : i32
    scf.for %parallel_loop3A_334 = %parallel_loop3A to %parallel_loop3A_152 step %parallel_loop3A_153  : i32 {
      %parallel_loop3A_335 = arith.constant 4 : i32
      %parallel_loop3A_336 = arith.shrui %parallel_loop3A_334, %parallel_loop3A_335 : i32
      %parallel_loop3A_337 = arith.constant 15 : i32
      %parallel_loop3A_338 = arith.andi %parallel_loop3A_334, %parallel_loop3A_337 : i32
      %parallel_loop3A_339 = arith.constant 32 : i32
      %parallel_loop3A_340 = arith.muli %parallel_loop3A_338, %parallel_loop3A_339 : i32
      %parallel_loop3A_341 = arith.constant 15 : i32
      %parallel_loop3A_342 = arith.andi %parallel_loop3A_334, %parallel_loop3A_341 : i32
      %parallel_loop3A_343 = arith.constant 16 : i32
      %parallel_loop3A_344 = arith.muli %parallel_loop3A_342, %parallel_loop3A_343 : i32
      %parallel_loop3A_345 = arith.constant 0 : i32
      %parallel_loop3A_346 = arith.addi %parallel_loop3A_345, %parallel_loop3A_336 : i32
      %parallel_loop3A_347 = arith.constant 256 : i32
      %parallel_loop3A_348 = arith.muli %parallel_loop3A_346, %parallel_loop3A_347 : i32
      %parallel_loop3A_349 = arith.addi %parallel_loop3A_348, %parallel_loop3A_344 : i32
      %parallel_loop3A_350 = arith.index_cast %parallel_loop3A_349 : i32 to index
      %parallel_loop3A_351 = tpu.vector_load %arg7[%parallel_loop3A_350] {strides = array<i32>} : memref<16384xi32, #tpu.memory_space<vmem>>, vector<16xi32>,
      %parallel_loop3A_352 = vector.shape_cast %parallel_loop3A_351 : vector<16xi32> to vector<16xi32>
      %parallel_loop3A_353 = arith.constant 16 : i32
      %parallel_loop3A_354 = vector.broadcast %parallel_loop3A_353 : i32 to vector<16xi32>
      %parallel_loop3A_355 = arith.shli %parallel_loop3A_352, %parallel_loop3A_354 : vector<16xi32>
      %parallel_loop3A_356 = tpu.bitcast %parallel_loop3A_355 : vector<16xi32> -> vector<16xf32>
      %parallel_loop3A_357 = arith.constant -65536 : i32
      %parallel_loop3A_358 = vector.broadcast %parallel_loop3A_357 : i32 to vector<16xi32>
      %parallel_loop3A_359 = arith.andi %parallel_loop3A_352, %parallel_loop3A_358 : vector<16xi32>
      %parallel_loop3A_360 = tpu.bitcast %parallel_loop3A_359 : vector<16xi32> -> vector<16xf32>
      %parallel_loop3A_361 = arith.constant 16 : i32
      %parallel_loop3A_362 = arith.addi %parallel_loop3A_340, %parallel_loop3A_361 : i32
      %parallel_loop3A_363 = arith.index_cast %parallel_loop3A_336 : i32 to index
      %parallel_loop3A_364 = arith.index_cast %parallel_loop3A_340 : i32 to index
      %parallel_loop3A_365 = tpu.vector_load %arg8[%parallel_loop3A_363, %parallel_loop3A_364] {strides = array<i32>} : memref<32x512xf32, #tpu.memory_space<vmem>>, vector<1x16xf32>,
      %parallel_loop3A_366 = vector.shape_cast %parallel_loop3A_365 : vector<1x16xf32> to vector<16xf32>
      %parallel_loop3A_367 = arith.constant 22.6274166 : f32
      %parallel_loop3A_368 = vector.broadcast %parallel_loop3A_367 : f32 to vector<16xf32>
      %parallel_loop3A_369 = arith.mulf %parallel_loop3A_366, %parallel_loop3A_368 : vector<16xf32>
      %parallel_loop3A_370 = arith.addf %parallel_loop3A_369, %parallel_loop3A_356 : vector<16xf32>
      %parallel_loop3A_371 = arith.index_cast %parallel_loop3A_336 : i32 to index
      %parallel_loop3A_372 = arith.index_cast %parallel_loop3A_340 : i32 to index
      %parallel_loop3A_373 = tpu.vector_load %arg8[%parallel_loop3A_371, %parallel_loop3A_372] {strides = array<i32>} : memref<32x512xf32, #tpu.memory_space<vmem>>, vector<1x16xf32>,
      %parallel_loop3A_374 = vector.shape_cast %parallel_loop3A_373 : vector<1x16xf32> to vector<16xf32>
      %parallel_loop3A_375 = vector.shape_cast %parallel_loop3A_370 : vector<16xf32> to vector<1x16xf32>
      tpu.vector_store %arg8[%parallel_loop3A_371, %parallel_loop3A_372], %parallel_loop3A_375 {strides = array<i32>} : memref<32x512xf32, #tpu.memory_space<vmem>>, vector<1x16xf32>,
      %parallel_loop3A_376 = arith.index_cast %parallel_loop3A_336 : i32 to index
      %parallel_loop3A_377 = arith.index_cast %parallel_loop3A_362 : i32 to index
      %parallel_loop3A_378 = tpu.vector_load %arg8[%parallel_loop3A_376, %parallel_loop3A_377] {strides = array<i32>} : memref<32x512xf32, #tpu.memory_space<vmem>>, vector<1x16xf32>,
      %parallel_loop3A_379 = vector.shape_cast %parallel_loop3A_378 : vector<1x16xf32> to vector<16xf32>
      %parallel_loop3A_380 = arith.constant 22.6274166 : f32
      %parallel_loop3A_381 = vector.broadcast %parallel_loop3A_380 : f32 to vector<16xf32>
      %parallel_loop3A_382 = arith.mulf %parallel_loop3A_379, %parallel_loop3A_381 : vector<16xf32>
      %parallel_loop3A_383 = arith.addf %parallel_loop3A_382, %parallel_loop3A_360 : vector<16xf32>
      %parallel_loop3A_384 = arith.index_cast %parallel_loop3A_336 : i32 to index
      %parallel_loop3A_385 = arith.index_cast %parallel_loop3A_362 : i32 to index
      %parallel_loop3A_386 = tpu.vector_load %arg8[%parallel_loop3A_384, %parallel_loop3A_385] {strides = array<i32>} : memref<32x512xf32, #tpu.memory_space<vmem>>, vector<1x16xf32>,
      %parallel_loop3A_387 = vector.shape_cast %parallel_loop3A_386 : vector<1x16xf32> to vector<16xf32>
      %parallel_loop3A_388 = vector.shape_cast %parallel_loop3A_383 : vector<16xf32> to vector<1x16xf32>
      tpu.vector_store %arg8[%parallel_loop3A_384, %parallel_loop3A_385], %parallel_loop3A_388 {strides = array<i32>} : memref<32x512xf32, #tpu.memory_space<vmem>>, vector<1x16xf32>,
    } {sc.loop_unroll_factor = 4 : i64, sc.parallel_access}
    %add3A_154 = arith.constant 0 : i32
    %add3A_155 = arith.addi %add3A_154, %mul3A_2 : i32
    %add3A_156 = arith.constant 0 : i32
    %add3A_157 = arith.addi %add3A_155, %add3A_156 : i32
    %dma_start3A_158 = arith.constant 0 : i32
    %dma_start3A_159 = tpu.memref_slice %arg5[%add3A_157, %dma_start3A_158] : memref<8192x512xf32, #tpu.memory_space<hbm>> -> memref<32x512xf32, #tpu.memory_space<hbm>>
    %dma_start3A_160 = arith.constant 0 : i32
    %dma_start3A_161 = tpu.memref_slice %arg5[%add3A_157, %dma_start3A_160] : memref<8192x512xf32, #tpu.memory_space<hbm>> -> memref<32x512xf32, #tpu.memory_space<hbm>>
    tpu.enqueue_dma source(%arg8 : memref<32x512xf32, #tpu.memory_space<vmem>>) target(%dma_start3A_161 : memref<32x512xf32, #tpu.memory_space<hbm>>) target_semaphore(%arg22 : memref<!tpu.dma_semaphore, #tpu.memory_space<semaphore_mem>>)
    %dma_wait3A_162 = arith.constant 0 : i32
    %dma_wait3A_163 = tpu.memref_slice %arg5[%add3A_157, %dma_wait3A_162] : memref<8192x512xf32, #tpu.memory_space<hbm>> -> memref<32x512xf32, #tpu.memory_space<hbm>>
    %dma_wait3A_164 = arith.constant 0 : i32
    %dma_wait3A_165 = tpu.memref_slice %arg5[%add3A_157, %dma_wait3A_164] : memref<8192x512xf32, #tpu.memory_space<hbm>> -> memref<32x512xf32, #tpu.memory_space<hbm>>
    tpu.wait_dma2 semaphore(%arg22 : memref<!tpu.dma_semaphore, #tpu.memory_space<semaphore_mem>>) src(%arg8 : memref<32x512xf32, #tpu.memory_space<vmem>>) dst(%dma_wait3A_165 : memref<32x512xf32, #tpu.memory_space<hbm>>)
    %dma_start3A_166 = arith.constant 3 : i32
    %dma_start3A_167 = arith.constant 0 : i32
    %dma_start3A_168 = tpu.memref_slice %arg6[%dma_start3A_166, %dma_start3A_167] : memref<4x64xi32, #tpu.memory_space<vmem>> -> memref<1x32xi32, #tpu.memory_space<vmem>>
    %dma_start3A_169 = tpu.memref_squeeze %dma_start3A_168 : memref<1x32xi32, #tpu.memory_space<vmem>> -> memref<32xi32, #tpu.memory_space<vmem>>
    %dma_start3A_170 = arith.constant 0 : i32
    %dma_start3A_171 = arith.constant 0 : i32
    %dma_start3A_172 = tpu.memref_slice %arg3[%dma_start3A_170, %dma_start3A_171] : memref<37000x512xf32, #tpu.memory_space<hbm>> -> memref<37000x512xf32, #tpu.memory_space<hbm>>
    tpu.enqueue_indirect_dma source(%dma_start3A_172 : memref<37000x512xf32, #tpu.memory_space<hbm>>) target(%arg8 : memref<32x512xf32, #tpu.memory_space<vmem>>) offsets(%dma_start3A_169 : memref<32xi32, #tpu.memory_space<vmem>>) semaphore(%arg16 : memref<!tpu.dma_semaphore, #tpu.memory_space<semaphore_mem>>)
    %dma_wait3A_173 = arith.constant 0 : i32
    %dma_wait3A_174 = arith.constant 32 : i32
    %dma_wait3A_175 = tpu.memref_slice %arg6[%dma_wait3A_173, %dma_wait3A_174] : memref<4x64xi32, #tpu.memory_space<vmem>> -> memref<1x32xi32, #tpu.memory_space<vmem>>
    %dma_wait3A_176 = tpu.memref_squeeze %dma_wait3A_175 : memref<1x32xi32, #tpu.memory_space<vmem>> -> memref<32xi32, #tpu.memory_space<vmem>>
    %dma_wait3A_177 = arith.constant 0 : i32
    %dma_wait3A_178 = arith.constant 0 : i32
    %dma_wait3A_179 = tpu.memref_slice %arg3[%dma_wait3A_177, %dma_wait3A_178] : memref<37000x512xf32, #tpu.memory_space<hbm>> -> memref<37000x512xf32, #tpu.memory_space<hbm>>
    tpu.wait_indirect_dma semaphore(%arg17 : memref<!tpu.dma_semaphore, #tpu.memory_space<semaphore_mem>>) src(%dma_wait3A_179 : memref<37000x512xf32, #tpu.memory_space<hbm>>) dst(%arg9 : memref<32x512xf32, #tpu.memory_space<vmem>>)
    %parallel_loop3A_180 = arith.constant 0 : i32
    %parallel_loop3A_181 = arith.constant 512 : i32
    %parallel_loop3A_182 = arith.constant 1 : i32
    scf.for %parallel_loop3A_334 = %parallel_loop3A_180 to %parallel_loop3A_181 step %parallel_loop3A_182  : i32 {
      %parallel_loop3A_335 = arith.constant 4 : i32
      %parallel_loop3A_336 = arith.shrui %parallel_loop3A_334, %parallel_loop3A_335 : i32
      %parallel_loop3A_337 = arith.constant 15 : i32
      %parallel_loop3A_338 = arith.andi %parallel_loop3A_334, %parallel_loop3A_337 : i32
      %parallel_loop3A_339 = arith.constant 32 : i32
      %parallel_loop3A_340 = arith.muli %parallel_loop3A_338, %parallel_loop3A_339 : i32
      %parallel_loop3A_341 = arith.constant 15 : i32
      %parallel_loop3A_342 = arith.andi %parallel_loop3A_334, %parallel_loop3A_341 : i32
      %parallel_loop3A_343 = arith.constant 16 : i32
      %parallel_loop3A_344 = arith.muli %parallel_loop3A_342, %parallel_loop3A_343 : i32
      %parallel_loop3A_345 = arith.constant 32 : i32
      %parallel_loop3A_346 = arith.addi %parallel_loop3A_345, %parallel_loop3A_336 : i32
      %parallel_loop3A_347 = arith.constant 256 : i32
      %parallel_loop3A_348 = arith.muli %parallel_loop3A_346, %parallel_loop3A_347 : i32
      %parallel_loop3A_349 = arith.addi %parallel_loop3A_348, %parallel_loop3A_344 : i32
      %parallel_loop3A_350 = arith.index_cast %parallel_loop3A_349 : i32 to index
      %parallel_loop3A_351 = tpu.vector_load %arg7[%parallel_loop3A_350] {strides = array<i32>} : memref<16384xi32, #tpu.memory_space<vmem>>, vector<16xi32>,
      %parallel_loop3A_352 = vector.shape_cast %parallel_loop3A_351 : vector<16xi32> to vector<16xi32>
      %parallel_loop3A_353 = arith.constant 16 : i32
      %parallel_loop3A_354 = vector.broadcast %parallel_loop3A_353 : i32 to vector<16xi32>
      %parallel_loop3A_355 = arith.shli %parallel_loop3A_352, %parallel_loop3A_354 : vector<16xi32>
      %parallel_loop3A_356 = tpu.bitcast %parallel_loop3A_355 : vector<16xi32> -> vector<16xf32>
      %parallel_loop3A_357 = arith.constant -65536 : i32
      %parallel_loop3A_358 = vector.broadcast %parallel_loop3A_357 : i32 to vector<16xi32>
      %parallel_loop3A_359 = arith.andi %parallel_loop3A_352, %parallel_loop3A_358 : vector<16xi32>
      %parallel_loop3A_360 = tpu.bitcast %parallel_loop3A_359 : vector<16xi32> -> vector<16xf32>
      %parallel_loop3A_361 = arith.constant 16 : i32
      %parallel_loop3A_362 = arith.addi %parallel_loop3A_340, %parallel_loop3A_361 : i32
      %parallel_loop3A_363 = arith.index_cast %parallel_loop3A_336 : i32 to index
      %parallel_loop3A_364 = arith.index_cast %parallel_loop3A_340 : i32 to index
      %parallel_loop3A_365 = tpu.vector_load %arg9[%parallel_loop3A_363, %parallel_loop3A_364] {strides = array<i32>} : memref<32x512xf32, #tpu.memory_space<vmem>>, vector<1x16xf32>,
      %parallel_loop3A_366 = vector.shape_cast %parallel_loop3A_365 : vector<1x16xf32> to vector<16xf32>
      %parallel_loop3A_367 = arith.constant 22.6274166 : f32
      %parallel_loop3A_368 = vector.broadcast %parallel_loop3A_367 : f32 to vector<16xf32>
      %parallel_loop3A_369 = arith.mulf %parallel_loop3A_366, %parallel_loop3A_368 : vector<16xf32>
      %parallel_loop3A_370 = arith.addf %parallel_loop3A_369, %parallel_loop3A_356 : vector<16xf32>
      %parallel_loop3A_371 = arith.index_cast %parallel_loop3A_336 : i32 to index
      %parallel_loop3A_372 = arith.index_cast %parallel_loop3A_340 : i32 to index
      %parallel_loop3A_373 = tpu.vector_load %arg9[%parallel_loop3A_371, %parallel_loop3A_372] {strides = array<i32>} : memref<32x512xf32, #tpu.memory_space<vmem>>, vector<1x16xf32>,
      %parallel_loop3A_374 = vector.shape_cast %parallel_loop3A_373 : vector<1x16xf32> to vector<16xf32>
      %parallel_loop3A_375 = vector.shape_cast %parallel_loop3A_370 : vector<16xf32> to vector<1x16xf32>
      tpu.vector_store %arg9[%parallel_loop3A_371, %parallel_loop3A_372], %parallel_loop3A_375 {strides = array<i32>} : memref<32x512xf32, #tpu.memory_space<vmem>>, vector<1x16xf32>,
      %parallel_loop3A_376 = arith.index_cast %parallel_loop3A_336 : i32 to index
      %parallel_loop3A_377 = arith.index_cast %parallel_loop3A_362 : i32 to index
      %parallel_loop3A_378 = tpu.vector_load %arg9[%parallel_loop3A_376, %parallel_loop3A_377] {strides = array<i32>} : memref<32x512xf32, #tpu.memory_space<vmem>>, vector<1x16xf32>,
      %parallel_loop3A_379 = vector.shape_cast %parallel_loop3A_378 : vector<1x16xf32> to vector<16xf32>
      %parallel_loop3A_380 = arith.constant 22.6274166 : f32
      %parallel_loop3A_381 = vector.broadcast %parallel_loop3A_380 : f32 to vector<16xf32>
      %parallel_loop3A_382 = arith.mulf %parallel_loop3A_379, %parallel_loop3A_381 : vector<16xf32>
      %parallel_loop3A_383 = arith.addf %parallel_loop3A_382, %parallel_loop3A_360 : vector<16xf32>
      %parallel_loop3A_384 = arith.index_cast %parallel_loop3A_336 : i32 to index
      %parallel_loop3A_385 = arith.index_cast %parallel_loop3A_362 : i32 to index
      %parallel_loop3A_386 = tpu.vector_load %arg9[%parallel_loop3A_384, %parallel_loop3A_385] {strides = array<i32>} : memref<32x512xf32, #tpu.memory_space<vmem>>, vector<1x16xf32>,
      %parallel_loop3A_387 = vector.shape_cast %parallel_loop3A_386 : vector<1x16xf32> to vector<16xf32>
      %parallel_loop3A_388 = vector.shape_cast %parallel_loop3A_383 : vector<16xf32> to vector<1x16xf32>
      tpu.vector_store %arg9[%parallel_loop3A_384, %parallel_loop3A_385], %parallel_loop3A_388 {strides = array<i32>} : memref<32x512xf32, #tpu.memory_space<vmem>>, vector<1x16xf32>,
    } {sc.loop_unroll_factor = 4 : i64, sc.parallel_access}
    %add3A_183 = arith.constant 0 : i32
    %add3A_184 = arith.addi %add3A_183, %mul3A_2 : i32
    %add3A_185 = arith.constant 32 : i32
    %add3A_186 = arith.addi %add3A_184, %add3A_185 : i32
    %dma_start3A_187 = arith.constant 0 : i32
    %dma_start3A_188 = tpu.memref_slice %arg5[%add3A_186, %dma_start3A_187] : memref<8192x512xf32, #tpu.memory_space<hbm>> -> memref<32x512xf32, #tpu.memory_space<hbm>>
    %dma_start3A_189 = arith.constant 0 : i32
    %dma_start3A_190 = tpu.memref_slice %arg5[%add3A_186, %dma_start3A_189] : memref<8192x512xf32, #tpu.memory_space<hbm>> -> memref<32x512xf32, #tpu.memory_space<hbm>>
    tpu.enqueue_dma source(%arg9 : memref<32x512xf32, #tpu.memory_space<vmem>>) target(%dma_start3A_190 : memref<32x512xf32, #tpu.memory_space<hbm>>) target_semaphore(%arg23 : memref<!tpu.dma_semaphore, #tpu.memory_space<semaphore_mem>>)
    %dma_wait3A_191 = arith.constant 0 : i32
    %dma_wait3A_192 = tpu.memref_slice %arg5[%add3A_186, %dma_wait3A_191] : memref<8192x512xf32, #tpu.memory_space<hbm>> -> memref<32x512xf32, #tpu.memory_space<hbm>>
    %dma_wait3A_193 = arith.constant 0 : i32
    %dma_wait3A_194 = tpu.memref_slice %arg5[%add3A_186, %dma_wait3A_193] : memref<8192x512xf32, #tpu.memory_space<hbm>> -> memref<32x512xf32, #tpu.memory_space<hbm>>
    tpu.wait_dma2 semaphore(%arg23 : memref<!tpu.dma_semaphore, #tpu.memory_space<semaphore_mem>>) src(%arg9 : memref<32x512xf32, #tpu.memory_space<vmem>>) dst(%dma_wait3A_194 : memref<32x512xf32, #tpu.memory_space<hbm>>)
    %dma_start3A_195 = arith.constant 3 : i32
    %dma_start3A_196 = arith.constant 32 : i32
    %dma_start3A_197 = tpu.memref_slice %arg6[%dma_start3A_195, %dma_start3A_196] : memref<4x64xi32, #tpu.memory_space<vmem>> -> memref<1x32xi32, #tpu.memory_space<vmem>>
    %dma_start3A_198 = tpu.memref_squeeze %dma_start3A_197 : memref<1x32xi32, #tpu.memory_space<vmem>> -> memref<32xi32, #tpu.memory_space<vmem>>
    %dma_start3A_199 = arith.constant 0 : i32
    %dma_start3A_200 = arith.constant 0 : i32
    %dma_start3A_201 = tpu.memref_slice %arg3[%dma_start3A_199, %dma_start3A_200] : memref<37000x512xf32, #tpu.memory_space<hbm>> -> memref<37000x512xf32, #tpu.memory_space<hbm>>
    tpu.enqueue_indirect_dma source(%dma_start3A_201 : memref<37000x512xf32, #tpu.memory_space<hbm>>) target(%arg9 : memref<32x512xf32, #tpu.memory_space<vmem>>) offsets(%dma_start3A_198 : memref<32xi32, #tpu.memory_space<vmem>>) semaphore(%arg17 : memref<!tpu.dma_semaphore, #tpu.memory_space<semaphore_mem>>)
    %dma_wait3A_202 = arith.constant 1 : i32
    %dma_wait3A_203 = arith.constant 0 : i32
    %dma_wait3A_204 = tpu.memref_slice %arg6[%dma_wait3A_202, %dma_wait3A_203] : memref<4x64xi32, #tpu.memory_space<vmem>> -> memref<1x32xi32, #tpu.memory_space<vmem>>
    %dma_wait3A_205 = tpu.memref_squeeze %dma_wait3A_204 : memref<1x32xi32, #tpu.memory_space<vmem>> -> memref<32xi32, #tpu.memory_space<vmem>>
    %dma_wait3A_206 = arith.constant 0 : i32
    %dma_wait3A_207 = arith.constant 0 : i32
    %dma_wait3A_208 = tpu.memref_slice %arg3[%dma_wait3A_206, %dma_wait3A_207] : memref<37000x512xf32, #tpu.memory_space<hbm>> -> memref<37000x512xf32, #tpu.memory_space<hbm>>
    tpu.wait_indirect_dma semaphore(%arg18 : memref<!tpu.dma_semaphore, #tpu.memory_space<semaphore_mem>>) src(%dma_wait3A_208 : memref<37000x512xf32, #tpu.memory_space<hbm>>) dst(%arg10 : memref<32x512xf32, #tpu.memory_space<vmem>>)
    %parallel_loop3A_209 = arith.constant 0 : i32
    %parallel_loop3A_210 = arith.constant 512 : i32
    %parallel_loop3A_211 = arith.constant 1 : i32
    scf.for %parallel_loop3A_334 = %parallel_loop3A_209 to %parallel_loop3A_210 step %parallel_loop3A_211  : i32 {
      %parallel_loop3A_335 = arith.constant 4 : i32
      %parallel_loop3A_336 = arith.shrui %parallel_loop3A_334, %parallel_loop3A_335 : i32
      %parallel_loop3A_337 = arith.constant 15 : i32
      %parallel_loop3A_338 = arith.andi %parallel_loop3A_334, %parallel_loop3A_337 : i32
      %parallel_loop3A_339 = arith.constant 32 : i32
      %parallel_loop3A_340 = arith.muli %parallel_loop3A_338, %parallel_loop3A_339 : i32
      %parallel_loop3A_341 = arith.constant 15 : i32
      %parallel_loop3A_342 = arith.andi %parallel_loop3A_334, %parallel_loop3A_341 : i32
      %parallel_loop3A_343 = arith.constant 16 : i32
      %parallel_loop3A_344 = arith.muli %parallel_loop3A_342, %parallel_loop3A_343 : i32
      %parallel_loop3A_345 = arith.constant 0 : i32
      %parallel_loop3A_346 = arith.addi %parallel_loop3A_345, %parallel_loop3A_336 : i32
      %parallel_loop3A_347 = arith.constant 256 : i32
      %parallel_loop3A_348 = arith.muli %parallel_loop3A_346, %parallel_loop3A_347 : i32
      %parallel_loop3A_349 = arith.addi %parallel_loop3A_348, %parallel_loop3A_344 : i32
      %parallel_loop3A_350 = arith.index_cast %parallel_loop3A_349 : i32 to index
      %parallel_loop3A_351 = tpu.vector_load %arg7[%parallel_loop3A_350] {strides = array<i32>} : memref<16384xi32, #tpu.memory_space<vmem>>, vector<16xi32>,
      %parallel_loop3A_352 = vector.shape_cast %parallel_loop3A_351 : vector<16xi32> to vector<16xi32>
      %parallel_loop3A_353 = arith.constant 16 : i32
      %parallel_loop3A_354 = vector.broadcast %parallel_loop3A_353 : i32 to vector<16xi32>
      %parallel_loop3A_355 = arith.shli %parallel_loop3A_352, %parallel_loop3A_354 : vector<16xi32>
      %parallel_loop3A_356 = tpu.bitcast %parallel_loop3A_355 : vector<16xi32> -> vector<16xf32>
      %parallel_loop3A_357 = arith.constant -65536 : i32
      %parallel_loop3A_358 = vector.broadcast %parallel_loop3A_357 : i32 to vector<16xi32>
      %parallel_loop3A_359 = arith.andi %parallel_loop3A_352, %parallel_loop3A_358 : vector<16xi32>
      %parallel_loop3A_360 = tpu.bitcast %parallel_loop3A_359 : vector<16xi32> -> vector<16xf32>
      %parallel_loop3A_361 = arith.constant 16 : i32
      %parallel_loop3A_362 = arith.addi %parallel_loop3A_340, %parallel_loop3A_361 : i32
      %parallel_loop3A_363 = arith.index_cast %parallel_loop3A_336 : i32 to index
      %parallel_loop3A_364 = arith.index_cast %parallel_loop3A_340 : i32 to index
      %parallel_loop3A_365 = tpu.vector_load %arg10[%parallel_loop3A_363, %parallel_loop3A_364] {strides = array<i32>} : memref<32x512xf32, #tpu.memory_space<vmem>>, vector<1x16xf32>,
      %parallel_loop3A_366 = vector.shape_cast %parallel_loop3A_365 : vector<1x16xf32> to vector<16xf32>
      %parallel_loop3A_367 = arith.constant 22.6274166 : f32
      %parallel_loop3A_368 = vector.broadcast %parallel_loop3A_367 : f32 to vector<16xf32>
      %parallel_loop3A_369 = arith.mulf %parallel_loop3A_366, %parallel_loop3A_368 : vector<16xf32>
      %parallel_loop3A_370 = arith.addf %parallel_loop3A_369, %parallel_loop3A_356 : vector<16xf32>
      %parallel_loop3A_371 = arith.index_cast %parallel_loop3A_336 : i32 to index
      %parallel_loop3A_372 = arith.index_cast %parallel_loop3A_340 : i32 to index
      %parallel_loop3A_373 = tpu.vector_load %arg10[%parallel_loop3A_371, %parallel_loop3A_372] {strides = array<i32>} : memref<32x512xf32, #tpu.memory_space<vmem>>, vector<1x16xf32>,
      %parallel_loop3A_374 = vector.shape_cast %parallel_loop3A_373 : vector<1x16xf32> to vector<16xf32>
      %parallel_loop3A_375 = vector.shape_cast %parallel_loop3A_370 : vector<16xf32> to vector<1x16xf32>
      tpu.vector_store %arg10[%parallel_loop3A_371, %parallel_loop3A_372], %parallel_loop3A_375 {strides = array<i32>} : memref<32x512xf32, #tpu.memory_space<vmem>>, vector<1x16xf32>,
      %parallel_loop3A_376 = arith.index_cast %parallel_loop3A_336 : i32 to index
      %parallel_loop3A_377 = arith.index_cast %parallel_loop3A_362 : i32 to index
      %parallel_loop3A_378 = tpu.vector_load %arg10[%parallel_loop3A_376, %parallel_loop3A_377] {strides = array<i32>} : memref<32x512xf32, #tpu.memory_space<vmem>>, vector<1x16xf32>,
      %parallel_loop3A_379 = vector.shape_cast %parallel_loop3A_378 : vector<1x16xf32> to vector<16xf32>
      %parallel_loop3A_380 = arith.constant 22.6274166 : f32
      %parallel_loop3A_381 = vector.broadcast %parallel_loop3A_380 : f32 to vector<16xf32>
      %parallel_loop3A_382 = arith.mulf %parallel_loop3A_379, %parallel_loop3A_381 : vector<16xf32>
      %parallel_loop3A_383 = arith.addf %parallel_loop3A_382, %parallel_loop3A_360 : vector<16xf32>
      %parallel_loop3A_384 = arith.index_cast %parallel_loop3A_336 : i32 to index
      %parallel_loop3A_385 = arith.index_cast %parallel_loop3A_362 : i32 to index
      %parallel_loop3A_386 = tpu.vector_load %arg10[%parallel_loop3A_384, %parallel_loop3A_385] {strides = array<i32>} : memref<32x512xf32, #tpu.memory_space<vmem>>, vector<1x16xf32>,
      %parallel_loop3A_387 = vector.shape_cast %parallel_loop3A_386 : vector<1x16xf32> to vector<16xf32>
      %parallel_loop3A_388 = vector.shape_cast %parallel_loop3A_383 : vector<16xf32> to vector<1x16xf32>
      tpu.vector_store %arg10[%parallel_loop3A_384, %parallel_loop3A_385], %parallel_loop3A_388 {strides = array<i32>} : memref<32x512xf32, #tpu.memory_space<vmem>>, vector<1x16xf32>,
    } {sc.loop_unroll_factor = 4 : i64, sc.parallel_access}
    %add3A_212 = arith.constant 2048 : i32
    %add3A_213 = arith.addi %add3A_212, %mul3A_2 : i32
    %add3A_214 = arith.constant 0 : i32
    %add3A_215 = arith.addi %add3A_213, %add3A_214 : i32
    %dma_start3A_216 = arith.constant 0 : i32
    %dma_start3A_217 = tpu.memref_slice %arg5[%add3A_215, %dma_start3A_216] : memref<8192x512xf32, #tpu.memory_space<hbm>> -> memref<32x512xf32, #tpu.memory_space<hbm>>
    %dma_start3A_218 = arith.constant 0 : i32
    %dma_start3A_219 = tpu.memref_slice %arg5[%add3A_215, %dma_start3A_218] : memref<8192x512xf32, #tpu.memory_space<hbm>> -> memref<32x512xf32, #tpu.memory_space<hbm>>
    tpu.enqueue_dma source(%arg10 : memref<32x512xf32, #tpu.memory_space<vmem>>) target(%dma_start3A_219 : memref<32x512xf32, #tpu.memory_space<hbm>>) target_semaphore(%arg24 : memref<!tpu.dma_semaphore, #tpu.memory_space<semaphore_mem>>)
    %dma_wait3A_220 = arith.constant 1 : i32
    %dma_wait3A_221 = arith.constant 32 : i32
    %dma_wait3A_222 = tpu.memref_slice %arg6[%dma_wait3A_220, %dma_wait3A_221] : memref<4x64xi32, #tpu.memory_space<vmem>> -> memref<1x32xi32, #tpu.memory_space<vmem>>
    %dma_wait3A_223 = tpu.memref_squeeze %dma_wait3A_222 : memref<1x32xi32, #tpu.memory_space<vmem>> -> memref<32xi32, #tpu.memory_space<vmem>>
    %dma_wait3A_224 = arith.constant 0 : i32
    %dma_wait3A_225 = arith.constant 0 : i32
    %dma_wait3A_226 = tpu.memref_slice %arg3[%dma_wait3A_224, %dma_wait3A_225] : memref<37000x512xf32, #tpu.memory_space<hbm>> -> memref<37000x512xf32, #tpu.memory_space<hbm>>
    tpu.wait_indirect_dma semaphore(%arg19 : memref<!tpu.dma_semaphore, #tpu.memory_space<semaphore_mem>>) src(%dma_wait3A_226 : memref<37000x512xf32, #tpu.memory_space<hbm>>) dst(%arg11 : memref<32x512xf32, #tpu.memory_space<vmem>>)
    %parallel_loop3A_227 = arith.constant 0 : i32
    %parallel_loop3A_228 = arith.constant 512 : i32
    %parallel_loop3A_229 = arith.constant 1 : i32
    scf.for %parallel_loop3A_334 = %parallel_loop3A_227 to %parallel_loop3A_228 step %parallel_loop3A_229  : i32 {
      %parallel_loop3A_335 = arith.constant 4 : i32
      %parallel_loop3A_336 = arith.shrui %parallel_loop3A_334, %parallel_loop3A_335 : i32
      %parallel_loop3A_337 = arith.constant 15 : i32
      %parallel_loop3A_338 = arith.andi %parallel_loop3A_334, %parallel_loop3A_337 : i32
      %parallel_loop3A_339 = arith.constant 32 : i32
      %parallel_loop3A_340 = arith.muli %parallel_loop3A_338, %parallel_loop3A_339 : i32
      %parallel_loop3A_341 = arith.constant 15 : i32
      %parallel_loop3A_342 = arith.andi %parallel_loop3A_334, %parallel_loop3A_341 : i32
      %parallel_loop3A_343 = arith.constant 16 : i32
      %parallel_loop3A_344 = arith.muli %parallel_loop3A_342, %parallel_loop3A_343 : i32
      %parallel_loop3A_345 = arith.constant 32 : i32
      %parallel_loop3A_346 = arith.addi %parallel_loop3A_345, %parallel_loop3A_336 : i32
      %parallel_loop3A_347 = arith.constant 256 : i32
      %parallel_loop3A_348 = arith.muli %parallel_loop3A_346, %parallel_loop3A_347 : i32
      %parallel_loop3A_349 = arith.addi %parallel_loop3A_348, %parallel_loop3A_344 : i32
      %parallel_loop3A_350 = arith.index_cast %parallel_loop3A_349 : i32 to index
      %parallel_loop3A_351 = tpu.vector_load %arg7[%parallel_loop3A_350] {strides = array<i32>} : memref<16384xi32, #tpu.memory_space<vmem>>, vector<16xi32>,
      %parallel_loop3A_352 = vector.shape_cast %parallel_loop3A_351 : vector<16xi32> to vector<16xi32>
      %parallel_loop3A_353 = arith.constant 16 : i32
      %parallel_loop3A_354 = vector.broadcast %parallel_loop3A_353 : i32 to vector<16xi32>
      %parallel_loop3A_355 = arith.shli %parallel_loop3A_352, %parallel_loop3A_354 : vector<16xi32>
      %parallel_loop3A_356 = tpu.bitcast %parallel_loop3A_355 : vector<16xi32> -> vector<16xf32>
      %parallel_loop3A_357 = arith.constant -65536 : i32
      %parallel_loop3A_358 = vector.broadcast %parallel_loop3A_357 : i32 to vector<16xi32>
      %parallel_loop3A_359 = arith.andi %parallel_loop3A_352, %parallel_loop3A_358 : vector<16xi32>
      %parallel_loop3A_360 = tpu.bitcast %parallel_loop3A_359 : vector<16xi32> -> vector<16xf32>
      %parallel_loop3A_361 = arith.constant 16 : i32
      %parallel_loop3A_362 = arith.addi %parallel_loop3A_340, %parallel_loop3A_361 : i32
      %parallel_loop3A_363 = arith.index_cast %parallel_loop3A_336 : i32 to index
      %parallel_loop3A_364 = arith.index_cast %parallel_loop3A_340 : i32 to index
      %parallel_loop3A_365 = tpu.vector_load %arg11[%parallel_loop3A_363, %parallel_loop3A_364] {strides = array<i32>} : memref<32x512xf32, #tpu.memory_space<vmem>>, vector<1x16xf32>,
      %parallel_loop3A_366 = vector.shape_cast %parallel_loop3A_365 : vector<1x16xf32> to vector<16xf32>
      %parallel_loop3A_367 = arith.constant 22.6274166 : f32
      %parallel_loop3A_368 = vector.broadcast %parallel_loop3A_367 : f32 to vector<16xf32>
      %parallel_loop3A_369 = arith.mulf %parallel_loop3A_366, %parallel_loop3A_368 : vector<16xf32>
      %parallel_loop3A_370 = arith.addf %parallel_loop3A_369, %parallel_loop3A_356 : vector<16xf32>
      %parallel_loop3A_371 = arith.index_cast %parallel_loop3A_336 : i32 to index
      %parallel_loop3A_372 = arith.index_cast %parallel_loop3A_340 : i32 to index
      %parallel_loop3A_373 = tpu.vector_load %arg11[%parallel_loop3A_371, %parallel_loop3A_372] {strides = array<i32>} : memref<32x512xf32, #tpu.memory_space<vmem>>, vector<1x16xf32>,
      %parallel_loop3A_374 = vector.shape_cast %parallel_loop3A_373 : vector<1x16xf32> to vector<16xf32>
      %parallel_loop3A_375 = vector.shape_cast %parallel_loop3A_370 : vector<16xf32> to vector<1x16xf32>
      tpu.vector_store %arg11[%parallel_loop3A_371, %parallel_loop3A_372], %parallel_loop3A_375 {strides = array<i32>} : memref<32x512xf32, #tpu.memory_space<vmem>>, vector<1x16xf32>,
      %parallel_loop3A_376 = arith.index_cast %parallel_loop3A_336 : i32 to index
      %parallel_loop3A_377 = arith.index_cast %parallel_loop3A_362 : i32 to index
      %parallel_loop3A_378 = tpu.vector_load %arg11[%parallel_loop3A_376, %parallel_loop3A_377] {strides = array<i32>} : memref<32x512xf32, #tpu.memory_space<vmem>>, vector<1x16xf32>,
      %parallel_loop3A_379 = vector.shape_cast %parallel_loop3A_378 : vector<1x16xf32> to vector<16xf32>
      %parallel_loop3A_380 = arith.constant 22.6274166 : f32
      %parallel_loop3A_381 = vector.broadcast %parallel_loop3A_380 : f32 to vector<16xf32>
      %parallel_loop3A_382 = arith.mulf %parallel_loop3A_379, %parallel_loop3A_381 : vector<16xf32>
      %parallel_loop3A_383 = arith.addf %parallel_loop3A_382, %parallel_loop3A_360 : vector<16xf32>
      %parallel_loop3A_384 = arith.index_cast %parallel_loop3A_336 : i32 to index
      %parallel_loop3A_385 = arith.index_cast %parallel_loop3A_362 : i32 to index
      %parallel_loop3A_386 = tpu.vector_load %arg11[%parallel_loop3A_384, %parallel_loop3A_385] {strides = array<i32>} : memref<32x512xf32, #tpu.memory_space<vmem>>, vector<1x16xf32>,
      %parallel_loop3A_387 = vector.shape_cast %parallel_loop3A_386 : vector<1x16xf32> to vector<16xf32>
      %parallel_loop3A_388 = vector.shape_cast %parallel_loop3A_383 : vector<16xf32> to vector<1x16xf32>
      tpu.vector_store %arg11[%parallel_loop3A_384, %parallel_loop3A_385], %parallel_loop3A_388 {strides = array<i32>} : memref<32x512xf32, #tpu.memory_space<vmem>>, vector<1x16xf32>,
    } {sc.loop_unroll_factor = 4 : i64, sc.parallel_access}
    %add3A_230 = arith.constant 2048 : i32
    %add3A_231 = arith.addi %add3A_230, %mul3A_2 : i32
    %add3A_232 = arith.constant 32 : i32
    %add3A_233 = arith.addi %add3A_231, %add3A_232 : i32
    %dma_start3A_234 = arith.constant 0 : i32
    %dma_start3A_235 = tpu.memref_slice %arg5[%add3A_233, %dma_start3A_234] : memref<8192x512xf32, #tpu.memory_space<hbm>> -> memref<32x512xf32, #tpu.memory_space<hbm>>
    %dma_start3A_236 = arith.constant 0 : i32
    %dma_start3A_237 = tpu.memref_slice %arg5[%add3A_233, %dma_start3A_236] : memref<8192x512xf32, #tpu.memory_space<hbm>> -> memref<32x512xf32, #tpu.memory_space<hbm>>
    tpu.enqueue_dma source(%arg11 : memref<32x512xf32, #tpu.memory_space<vmem>>) target(%dma_start3A_237 : memref<32x512xf32, #tpu.memory_space<hbm>>) target_semaphore(%arg25 : memref<!tpu.dma_semaphore, #tpu.memory_space<semaphore_mem>>)
    %dma_wait3A_238 = arith.constant 2 : i32
    %dma_wait3A_239 = arith.constant 0 : i32
    %dma_wait3A_240 = tpu.memref_slice %arg6[%dma_wait3A_238, %dma_wait3A_239] : memref<4x64xi32, #tpu.memory_space<vmem>> -> memref<1x32xi32, #tpu.memory_space<vmem>>
    %dma_wait3A_241 = tpu.memref_squeeze %dma_wait3A_240 : memref<1x32xi32, #tpu.memory_space<vmem>> -> memref<32xi32, #tpu.memory_space<vmem>>
    %dma_wait3A_242 = arith.constant 0 : i32
    %dma_wait3A_243 = arith.constant 0 : i32
    %dma_wait3A_244 = tpu.memref_slice %arg3[%dma_wait3A_242, %dma_wait3A_243] : memref<37000x512xf32, #tpu.memory_space<hbm>> -> memref<37000x512xf32, #tpu.memory_space<hbm>>
    tpu.wait_indirect_dma semaphore(%arg20 : memref<!tpu.dma_semaphore, #tpu.memory_space<semaphore_mem>>) src(%dma_wait3A_244 : memref<37000x512xf32, #tpu.memory_space<hbm>>) dst(%arg12 : memref<32x512xf32, #tpu.memory_space<vmem>>)
    %parallel_loop3A_245 = arith.constant 0 : i32
    %parallel_loop3A_246 = arith.constant 512 : i32
    %parallel_loop3A_247 = arith.constant 1 : i32
    scf.for %parallel_loop3A_334 = %parallel_loop3A_245 to %parallel_loop3A_246 step %parallel_loop3A_247  : i32 {
      %parallel_loop3A_335 = arith.constant 4 : i32
      %parallel_loop3A_336 = arith.shrui %parallel_loop3A_334, %parallel_loop3A_335 : i32
      %parallel_loop3A_337 = arith.constant 15 : i32
      %parallel_loop3A_338 = arith.andi %parallel_loop3A_334, %parallel_loop3A_337 : i32
      %parallel_loop3A_339 = arith.constant 32 : i32
      %parallel_loop3A_340 = arith.muli %parallel_loop3A_338, %parallel_loop3A_339 : i32
      %parallel_loop3A_341 = arith.constant 15 : i32
      %parallel_loop3A_342 = arith.andi %parallel_loop3A_334, %parallel_loop3A_341 : i32
      %parallel_loop3A_343 = arith.constant 16 : i32
      %parallel_loop3A_344 = arith.muli %parallel_loop3A_342, %parallel_loop3A_343 : i32
      %parallel_loop3A_345 = arith.constant 0 : i32
      %parallel_loop3A_346 = arith.addi %parallel_loop3A_345, %parallel_loop3A_336 : i32
      %parallel_loop3A_347 = arith.constant 256 : i32
      %parallel_loop3A_348 = arith.muli %parallel_loop3A_346, %parallel_loop3A_347 : i32
      %parallel_loop3A_349 = arith.addi %parallel_loop3A_348, %parallel_loop3A_344 : i32
      %parallel_loop3A_350 = arith.index_cast %parallel_loop3A_349 : i32 to index
      %parallel_loop3A_351 = tpu.vector_load %arg7[%parallel_loop3A_350] {strides = array<i32>} : memref<16384xi32, #tpu.memory_space<vmem>>, vector<16xi32>,
      %parallel_loop3A_352 = vector.shape_cast %parallel_loop3A_351 : vector<16xi32> to vector<16xi32>
      %parallel_loop3A_353 = arith.constant 16 : i32
      %parallel_loop3A_354 = vector.broadcast %parallel_loop3A_353 : i32 to vector<16xi32>
      %parallel_loop3A_355 = arith.shli %parallel_loop3A_352, %parallel_loop3A_354 : vector<16xi32>
      %parallel_loop3A_356 = tpu.bitcast %parallel_loop3A_355 : vector<16xi32> -> vector<16xf32>
      %parallel_loop3A_357 = arith.constant -65536 : i32
      %parallel_loop3A_358 = vector.broadcast %parallel_loop3A_357 : i32 to vector<16xi32>
      %parallel_loop3A_359 = arith.andi %parallel_loop3A_352, %parallel_loop3A_358 : vector<16xi32>
      %parallel_loop3A_360 = tpu.bitcast %parallel_loop3A_359 : vector<16xi32> -> vector<16xf32>
      %parallel_loop3A_361 = arith.constant 16 : i32
      %parallel_loop3A_362 = arith.addi %parallel_loop3A_340, %parallel_loop3A_361 : i32
      %parallel_loop3A_363 = arith.index_cast %parallel_loop3A_336 : i32 to index
      %parallel_loop3A_364 = arith.index_cast %parallel_loop3A_340 : i32 to index
      %parallel_loop3A_365 = tpu.vector_load %arg12[%parallel_loop3A_363, %parallel_loop3A_364] {strides = array<i32>} : memref<32x512xf32, #tpu.memory_space<vmem>>, vector<1x16xf32>,
      %parallel_loop3A_366 = vector.shape_cast %parallel_loop3A_365 : vector<1x16xf32> to vector<16xf32>
      %parallel_loop3A_367 = arith.constant 22.6274166 : f32
      %parallel_loop3A_368 = vector.broadcast %parallel_loop3A_367 : f32 to vector<16xf32>
      %parallel_loop3A_369 = arith.mulf %parallel_loop3A_366, %parallel_loop3A_368 : vector<16xf32>
      %parallel_loop3A_370 = arith.addf %parallel_loop3A_369, %parallel_loop3A_356 : vector<16xf32>
      %parallel_loop3A_371 = arith.index_cast %parallel_loop3A_336 : i32 to index
      %parallel_loop3A_372 = arith.index_cast %parallel_loop3A_340 : i32 to index
      %parallel_loop3A_373 = tpu.vector_load %arg12[%parallel_loop3A_371, %parallel_loop3A_372] {strides = array<i32>} : memref<32x512xf32, #tpu.memory_space<vmem>>, vector<1x16xf32>,
      %parallel_loop3A_374 = vector.shape_cast %parallel_loop3A_373 : vector<1x16xf32> to vector<16xf32>
      %parallel_loop3A_375 = vector.shape_cast %parallel_loop3A_370 : vector<16xf32> to vector<1x16xf32>
      tpu.vector_store %arg12[%parallel_loop3A_371, %parallel_loop3A_372], %parallel_loop3A_375 {strides = array<i32>} : memref<32x512xf32, #tpu.memory_space<vmem>>, vector<1x16xf32>,
      %parallel_loop3A_376 = arith.index_cast %parallel_loop3A_336 : i32 to index
      %parallel_loop3A_377 = arith.index_cast %parallel_loop3A_362 : i32 to index
      %parallel_loop3A_378 = tpu.vector_load %arg12[%parallel_loop3A_376, %parallel_loop3A_377] {strides = array<i32>} : memref<32x512xf32, #tpu.memory_space<vmem>>, vector<1x16xf32>,
      %parallel_loop3A_379 = vector.shape_cast %parallel_loop3A_378 : vector<1x16xf32> to vector<16xf32>
      %parallel_loop3A_380 = arith.constant 22.6274166 : f32
      %parallel_loop3A_381 = vector.broadcast %parallel_loop3A_380 : f32 to vector<16xf32>
      %parallel_loop3A_382 = arith.mulf %parallel_loop3A_379, %parallel_loop3A_381 : vector<16xf32>
      %parallel_loop3A_383 = arith.addf %parallel_loop3A_382, %parallel_loop3A_360 : vector<16xf32>
      %parallel_loop3A_384 = arith.index_cast %parallel_loop3A_336 : i32 to index
      %parallel_loop3A_385 = arith.index_cast %parallel_loop3A_362 : i32 to index
      %parallel_loop3A_386 = tpu.vector_load %arg12[%parallel_loop3A_384, %parallel_loop3A_385] {strides = array<i32>} : memref<32x512xf32, #tpu.memory_space<vmem>>, vector<1x16xf32>,
      %parallel_loop3A_387 = vector.shape_cast %parallel_loop3A_386 : vector<1x16xf32> to vector<16xf32>
      %parallel_loop3A_388 = vector.shape_cast %parallel_loop3A_383 : vector<16xf32> to vector<1x16xf32>
      tpu.vector_store %arg12[%parallel_loop3A_384, %parallel_loop3A_385], %parallel_loop3A_388 {strides = array<i32>} : memref<32x512xf32, #tpu.memory_space<vmem>>, vector<1x16xf32>,
    } {sc.loop_unroll_factor = 4 : i64, sc.parallel_access}
    %add3A_248 = arith.constant 4096 : i32
    %add3A_249 = arith.addi %add3A_248, %mul3A_2 : i32
    %add3A_250 = arith.constant 0 : i32
    %add3A_251 = arith.addi %add3A_249, %add3A_250 : i32
    %dma_start3A_252 = arith.constant 0 : i32
    %dma_start3A_253 = tpu.memref_slice %arg5[%add3A_251, %dma_start3A_252] : memref<8192x512xf32, #tpu.memory_space<hbm>> -> memref<32x512xf32, #tpu.memory_space<hbm>>
    %dma_start3A_254 = arith.constant 0 : i32
    %dma_start3A_255 = tpu.memref_slice %arg5[%add3A_251, %dma_start3A_254] : memref<8192x512xf32, #tpu.memory_space<hbm>> -> memref<32x512xf32, #tpu.memory_space<hbm>>
    tpu.enqueue_dma source(%arg12 : memref<32x512xf32, #tpu.memory_space<vmem>>) target(%dma_start3A_255 : memref<32x512xf32, #tpu.memory_space<hbm>>) target_semaphore(%arg26 : memref<!tpu.dma_semaphore, #tpu.memory_space<semaphore_mem>>)
    %dma_wait3A_256 = arith.constant 2 : i32
    %dma_wait3A_257 = arith.constant 32 : i32
    %dma_wait3A_258 = tpu.memref_slice %arg6[%dma_wait3A_256, %dma_wait3A_257] : memref<4x64xi32, #tpu.memory_space<vmem>> -> memref<1x32xi32, #tpu.memory_space<vmem>>
    %dma_wait3A_259 = tpu.memref_squeeze %dma_wait3A_258 : memref<1x32xi32, #tpu.memory_space<vmem>> -> memref<32xi32, #tpu.memory_space<vmem>>
    %dma_wait3A_260 = arith.constant 0 : i32
    %dma_wait3A_261 = arith.constant 0 : i32
    %dma_wait3A_262 = tpu.memref_slice %arg3[%dma_wait3A_260, %dma_wait3A_261] : memref<37000x512xf32, #tpu.memory_space<hbm>> -> memref<37000x512xf32, #tpu.memory_space<hbm>>
    tpu.wait_indirect_dma semaphore(%arg21 : memref<!tpu.dma_semaphore, #tpu.memory_space<semaphore_mem>>) src(%dma_wait3A_262 : memref<37000x512xf32, #tpu.memory_space<hbm>>) dst(%arg13 : memref<32x512xf32, #tpu.memory_space<vmem>>)
    %parallel_loop3A_263 = arith.constant 0 : i32
    %parallel_loop3A_264 = arith.constant 512 : i32
    %parallel_loop3A_265 = arith.constant 1 : i32
    scf.for %parallel_loop3A_334 = %parallel_loop3A_263 to %parallel_loop3A_264 step %parallel_loop3A_265  : i32 {
      %parallel_loop3A_335 = arith.constant 4 : i32
      %parallel_loop3A_336 = arith.shrui %parallel_loop3A_334, %parallel_loop3A_335 : i32
      %parallel_loop3A_337 = arith.constant 15 : i32
      %parallel_loop3A_338 = arith.andi %parallel_loop3A_334, %parallel_loop3A_337 : i32
      %parallel_loop3A_339 = arith.constant 32 : i32
      %parallel_loop3A_340 = arith.muli %parallel_loop3A_338, %parallel_loop3A_339 : i32
      %parallel_loop3A_341 = arith.constant 15 : i32
      %parallel_loop3A_342 = arith.andi %parallel_loop3A_334, %parallel_loop3A_341 : i32
      %parallel_loop3A_343 = arith.constant 16 : i32
      %parallel_loop3A_344 = arith.muli %parallel_loop3A_342, %parallel_loop3A_343 : i32
      %parallel_loop3A_345 = arith.constant 32 : i32
      %parallel_loop3A_346 = arith.addi %parallel_loop3A_345, %parallel_loop3A_336 : i32
      %parallel_loop3A_347 = arith.constant 256 : i32
      %parallel_loop3A_348 = arith.muli %parallel_loop3A_346, %parallel_loop3A_347 : i32
      %parallel_loop3A_349 = arith.addi %parallel_loop3A_348, %parallel_loop3A_344 : i32
      %parallel_loop3A_350 = arith.index_cast %parallel_loop3A_349 : i32 to index
      %parallel_loop3A_351 = tpu.vector_load %arg7[%parallel_loop3A_350] {strides = array<i32>} : memref<16384xi32, #tpu.memory_space<vmem>>, vector<16xi32>,
      %parallel_loop3A_352 = vector.shape_cast %parallel_loop3A_351 : vector<16xi32> to vector<16xi32>
      %parallel_loop3A_353 = arith.constant 16 : i32
      %parallel_loop3A_354 = vector.broadcast %parallel_loop3A_353 : i32 to vector<16xi32>
      %parallel_loop3A_355 = arith.shli %parallel_loop3A_352, %parallel_loop3A_354 : vector<16xi32>
      %parallel_loop3A_356 = tpu.bitcast %parallel_loop3A_355 : vector<16xi32> -> vector<16xf32>
      %parallel_loop3A_357 = arith.constant -65536 : i32
      %parallel_loop3A_358 = vector.broadcast %parallel_loop3A_357 : i32 to vector<16xi32>
      %parallel_loop3A_359 = arith.andi %parallel_loop3A_352, %parallel_loop3A_358 : vector<16xi32>
      %parallel_loop3A_360 = tpu.bitcast %parallel_loop3A_359 : vector<16xi32> -> vector<16xf32>
      %parallel_loop3A_361 = arith.constant 16 : i32
      %parallel_loop3A_362 = arith.addi %parallel_loop3A_340, %parallel_loop3A_361 : i32
      %parallel_loop3A_363 = arith.index_cast %parallel_loop3A_336 : i32 to index
      %parallel_loop3A_364 = arith.index_cast %parallel_loop3A_340 : i32 to index
      %parallel_loop3A_365 = tpu.vector_load %arg13[%parallel_loop3A_363, %parallel_loop3A_364] {strides = array<i32>} : memref<32x512xf32, #tpu.memory_space<vmem>>, vector<1x16xf32>,
      %parallel_loop3A_366 = vector.shape_cast %parallel_loop3A_365 : vector<1x16xf32> to vector<16xf32>
      %parallel_loop3A_367 = arith.constant 22.6274166 : f32
      %parallel_loop3A_368 = vector.broadcast %parallel_loop3A_367 : f32 to vector<16xf32>
      %parallel_loop3A_369 = arith.mulf %parallel_loop3A_366, %parallel_loop3A_368 : vector<16xf32>
      %parallel_loop3A_370 = arith.addf %parallel_loop3A_369, %parallel_loop3A_356 : vector<16xf32>
      %parallel_loop3A_371 = arith.index_cast %parallel_loop3A_336 : i32 to index
      %parallel_loop3A_372 = arith.index_cast %parallel_loop3A_340 : i32 to index
      %parallel_loop3A_373 = tpu.vector_load %arg13[%parallel_loop3A_371, %parallel_loop3A_372] {strides = array<i32>} : memref<32x512xf32, #tpu.memory_space<vmem>>, vector<1x16xf32>,
      %parallel_loop3A_374 = vector.shape_cast %parallel_loop3A_373 : vector<1x16xf32> to vector<16xf32>
      %parallel_loop3A_375 = vector.shape_cast %parallel_loop3A_370 : vector<16xf32> to vector<1x16xf32>
      tpu.vector_store %arg13[%parallel_loop3A_371, %parallel_loop3A_372], %parallel_loop3A_375 {strides = array<i32>} : memref<32x512xf32, #tpu.memory_space<vmem>>, vector<1x16xf32>,
      %parallel_loop3A_376 = arith.index_cast %parallel_loop3A_336 : i32 to index
      %parallel_loop3A_377 = arith.index_cast %parallel_loop3A_362 : i32 to index
      %parallel_loop3A_378 = tpu.vector_load %arg13[%parallel_loop3A_376, %parallel_loop3A_377] {strides = array<i32>} : memref<32x512xf32, #tpu.memory_space<vmem>>, vector<1x16xf32>,
      %parallel_loop3A_379 = vector.shape_cast %parallel_loop3A_378 : vector<1x16xf32> to vector<16xf32>
      %parallel_loop3A_380 = arith.constant 22.6274166 : f32
      %parallel_loop3A_381 = vector.broadcast %parallel_loop3A_380 : f32 to vector<16xf32>
      %parallel_loop3A_382 = arith.mulf %parallel_loop3A_379, %parallel_loop3A_381 : vector<16xf32>
      %parallel_loop3A_383 = arith.addf %parallel_loop3A_382, %parallel_loop3A_360 : vector<16xf32>
      %parallel_loop3A_384 = arith.index_cast %parallel_loop3A_336 : i32 to index
      %parallel_loop3A_385 = arith.index_cast %parallel_loop3A_362 : i32 to index
      %parallel_loop3A_386 = tpu.vector_load %arg13[%parallel_loop3A_384, %parallel_loop3A_385] {strides = array<i32>} : memref<32x512xf32, #tpu.memory_space<vmem>>, vector<1x16xf32>,
      %parallel_loop3A_387 = vector.shape_cast %parallel_loop3A_386 : vector<1x16xf32> to vector<16xf32>
      %parallel_loop3A_388 = vector.shape_cast %parallel_loop3A_383 : vector<16xf32> to vector<1x16xf32>
      tpu.vector_store %arg13[%parallel_loop3A_384, %parallel_loop3A_385], %parallel_loop3A_388 {strides = array<i32>} : memref<32x512xf32, #tpu.memory_space<vmem>>, vector<1x16xf32>,
    } {sc.loop_unroll_factor = 4 : i64, sc.parallel_access}
    %add3A_266 = arith.constant 4096 : i32
    %add3A_267 = arith.addi %add3A_266, %mul3A_2 : i32
    %add3A_268 = arith.constant 32 : i32
    %add3A_269 = arith.addi %add3A_267, %add3A_268 : i32
    %dma_start3A_270 = arith.constant 0 : i32
    %dma_start3A_271 = tpu.memref_slice %arg5[%add3A_269, %dma_start3A_270] : memref<8192x512xf32, #tpu.memory_space<hbm>> -> memref<32x512xf32, #tpu.memory_space<hbm>>
    %dma_start3A_272 = arith.constant 0 : i32
    %dma_start3A_273 = tpu.memref_slice %arg5[%add3A_269, %dma_start3A_272] : memref<8192x512xf32, #tpu.memory_space<hbm>> -> memref<32x512xf32, #tpu.memory_space<hbm>>
    tpu.enqueue_dma source(%arg13 : memref<32x512xf32, #tpu.memory_space<vmem>>) target(%dma_start3A_273 : memref<32x512xf32, #tpu.memory_space<hbm>>) target_semaphore(%arg27 : memref<!tpu.dma_semaphore, #tpu.memory_space<semaphore_mem>>)
    %dma_wait3A_274 = arith.constant 3 : i32
    %dma_wait3A_275 = arith.constant 0 : i32
    %dma_wait3A_276 = tpu.memref_slice %arg6[%dma_wait3A_274, %dma_wait3A_275] : memref<4x64xi32, #tpu.memory_space<vmem>> -> memref<1x32xi32, #tpu.memory_space<vmem>>
    %dma_wait3A_277 = tpu.memref_squeeze %dma_wait3A_276 : memref<1x32xi32, #tpu.memory_space<vmem>> -> memref<32xi32, #tpu.memory_space<vmem>>
    %dma_wait3A_278 = arith.constant 0 : i32
    %dma_wait3A_279 = arith.constant 0 : i32
    %dma_wait3A_280 = tpu.memref_slice %arg3[%dma_wait3A_278, %dma_wait3A_279] : memref<37000x512xf32, #tpu.memory_space<hbm>> -> memref<37000x512xf32, #tpu.memory_space<hbm>>
    tpu.wait_indirect_dma semaphore(%arg16 : memref<!tpu.dma_semaphore, #tpu.memory_space<semaphore_mem>>) src(%dma_wait3A_280 : memref<37000x512xf32, #tpu.memory_space<hbm>>) dst(%arg8 : memref<32x512xf32, #tpu.memory_space<vmem>>)
    %parallel_loop3A_281 = arith.constant 0 : i32
    %parallel_loop3A_282 = arith.constant 512 : i32
    %parallel_loop3A_283 = arith.constant 1 : i32
    scf.for %parallel_loop3A_334 = %parallel_loop3A_281 to %parallel_loop3A_282 step %parallel_loop3A_283  : i32 {
      %parallel_loop3A_335 = arith.constant 4 : i32
      %parallel_loop3A_336 = arith.shrui %parallel_loop3A_334, %parallel_loop3A_335 : i32
      %parallel_loop3A_337 = arith.constant 15 : i32
      %parallel_loop3A_338 = arith.andi %parallel_loop3A_334, %parallel_loop3A_337 : i32
      %parallel_loop3A_339 = arith.constant 32 : i32
      %parallel_loop3A_340 = arith.muli %parallel_loop3A_338, %parallel_loop3A_339 : i32
      %parallel_loop3A_341 = arith.constant 15 : i32
      %parallel_loop3A_342 = arith.andi %parallel_loop3A_334, %parallel_loop3A_341 : i32
      %parallel_loop3A_343 = arith.constant 16 : i32
      %parallel_loop3A_344 = arith.muli %parallel_loop3A_342, %parallel_loop3A_343 : i32
      %parallel_loop3A_345 = arith.constant 0 : i32
      %parallel_loop3A_346 = arith.addi %parallel_loop3A_345, %parallel_loop3A_336 : i32
      %parallel_loop3A_347 = arith.constant 256 : i32
      %parallel_loop3A_348 = arith.muli %parallel_loop3A_346, %parallel_loop3A_347 : i32
      %parallel_loop3A_349 = arith.addi %parallel_loop3A_348, %parallel_loop3A_344 : i32
      %parallel_loop3A_350 = arith.index_cast %parallel_loop3A_349 : i32 to index
      %parallel_loop3A_351 = tpu.vector_load %arg7[%parallel_loop3A_350] {strides = array<i32>} : memref<16384xi32, #tpu.memory_space<vmem>>, vector<16xi32>,
      %parallel_loop3A_352 = vector.shape_cast %parallel_loop3A_351 : vector<16xi32> to vector<16xi32>
      %parallel_loop3A_353 = arith.constant 16 : i32
      %parallel_loop3A_354 = vector.broadcast %parallel_loop3A_353 : i32 to vector<16xi32>
      %parallel_loop3A_355 = arith.shli %parallel_loop3A_352, %parallel_loop3A_354 : vector<16xi32>
      %parallel_loop3A_356 = tpu.bitcast %parallel_loop3A_355 : vector<16xi32> -> vector<16xf32>
      %parallel_loop3A_357 = arith.constant -65536 : i32
      %parallel_loop3A_358 = vector.broadcast %parallel_loop3A_357 : i32 to vector<16xi32>
      %parallel_loop3A_359 = arith.andi %parallel_loop3A_352, %parallel_loop3A_358 : vector<16xi32>
      %parallel_loop3A_360 = tpu.bitcast %parallel_loop3A_359 : vector<16xi32> -> vector<16xf32>
      %parallel_loop3A_361 = arith.constant 16 : i32
      %parallel_loop3A_362 = arith.addi %parallel_loop3A_340, %parallel_loop3A_361 : i32
      %parallel_loop3A_363 = arith.index_cast %parallel_loop3A_336 : i32 to index
      %parallel_loop3A_364 = arith.index_cast %parallel_loop3A_340 : i32 to index
      %parallel_loop3A_365 = tpu.vector_load %arg8[%parallel_loop3A_363, %parallel_loop3A_364] {strides = array<i32>} : memref<32x512xf32, #tpu.memory_space<vmem>>, vector<1x16xf32>,
      %parallel_loop3A_366 = vector.shape_cast %parallel_loop3A_365 : vector<1x16xf32> to vector<16xf32>
      %parallel_loop3A_367 = arith.constant 22.6274166 : f32
      %parallel_loop3A_368 = vector.broadcast %parallel_loop3A_367 : f32 to vector<16xf32>
      %parallel_loop3A_369 = arith.mulf %parallel_loop3A_366, %parallel_loop3A_368 : vector<16xf32>
      %parallel_loop3A_370 = arith.addf %parallel_loop3A_369, %parallel_loop3A_356 : vector<16xf32>
      %parallel_loop3A_371 = arith.index_cast %parallel_loop3A_336 : i32 to index
      %parallel_loop3A_372 = arith.index_cast %parallel_loop3A_340 : i32 to index
      %parallel_loop3A_373 = tpu.vector_load %arg8[%parallel_loop3A_371, %parallel_loop3A_372] {strides = array<i32>} : memref<32x512xf32, #tpu.memory_space<vmem>>, vector<1x16xf32>,
      %parallel_loop3A_374 = vector.shape_cast %parallel_loop3A_373 : vector<1x16xf32> to vector<16xf32>
      %parallel_loop3A_375 = vector.shape_cast %parallel_loop3A_370 : vector<16xf32> to vector<1x16xf32>
      tpu.vector_store %arg8[%parallel_loop3A_371, %parallel_loop3A_372], %parallel_loop3A_375 {strides = array<i32>} : memref<32x512xf32, #tpu.memory_space<vmem>>, vector<1x16xf32>,
      %parallel_loop3A_376 = arith.index_cast %parallel_loop3A_336 : i32 to index
      %parallel_loop3A_377 = arith.index_cast %parallel_loop3A_362 : i32 to index
      %parallel_loop3A_378 = tpu.vector_load %arg8[%parallel_loop3A_376, %parallel_loop3A_377] {strides = array<i32>} : memref<32x512xf32, #tpu.memory_space<vmem>>, vector<1x16xf32>,
      %parallel_loop3A_379 = vector.shape_cast %parallel_loop3A_378 : vector<1x16xf32> to vector<16xf32>
      %parallel_loop3A_380 = arith.constant 22.6274166 : f32
      %parallel_loop3A_381 = vector.broadcast %parallel_loop3A_380 : f32 to vector<16xf32>
      %parallel_loop3A_382 = arith.mulf %parallel_loop3A_379, %parallel_loop3A_381 : vector<16xf32>
      %parallel_loop3A_383 = arith.addf %parallel_loop3A_382, %parallel_loop3A_360 : vector<16xf32>
      %parallel_loop3A_384 = arith.index_cast %parallel_loop3A_336 : i32 to index
      %parallel_loop3A_385 = arith.index_cast %parallel_loop3A_362 : i32 to index
      %parallel_loop3A_386 = tpu.vector_load %arg8[%parallel_loop3A_384, %parallel_loop3A_385] {strides = array<i32>} : memref<32x512xf32, #tpu.memory_space<vmem>>, vector<1x16xf32>,
      %parallel_loop3A_387 = vector.shape_cast %parallel_loop3A_386 : vector<1x16xf32> to vector<16xf32>
      %parallel_loop3A_388 = vector.shape_cast %parallel_loop3A_383 : vector<16xf32> to vector<1x16xf32>
      tpu.vector_store %arg8[%parallel_loop3A_384, %parallel_loop3A_385], %parallel_loop3A_388 {strides = array<i32>} : memref<32x512xf32, #tpu.memory_space<vmem>>, vector<1x16xf32>,
    } {sc.loop_unroll_factor = 4 : i64, sc.parallel_access}
    %add3A_284 = arith.constant 6144 : i32
    %add3A_285 = arith.addi %add3A_284, %mul3A_2 : i32
    %add3A_286 = arith.constant 0 : i32
    %add3A_287 = arith.addi %add3A_285, %add3A_286 : i32
    %dma_start3A_288 = arith.constant 0 : i32
    %dma_start3A_289 = tpu.memref_slice %arg5[%add3A_287, %dma_start3A_288] : memref<8192x512xf32, #tpu.memory_space<hbm>> -> memref<32x512xf32, #tpu.memory_space<hbm>>
    %dma_start3A_290 = arith.constant 0 : i32
    %dma_start3A_291 = tpu.memref_slice %arg5[%add3A_287, %dma_start3A_290] : memref<8192x512xf32, #tpu.memory_space<hbm>> -> memref<32x512xf32, #tpu.memory_space<hbm>>
    tpu.enqueue_dma source(%arg8 : memref<32x512xf32, #tpu.memory_space<vmem>>) target(%dma_start3A_291 : memref<32x512xf32, #tpu.memory_space<hbm>>) target_semaphore(%arg22 : memref<!tpu.dma_semaphore, #tpu.memory_space<semaphore_mem>>)
    %dma_wait3A_292 = arith.constant 3 : i32
    %dma_wait3A_293 = arith.constant 32 : i32
    %dma_wait3A_294 = tpu.memref_slice %arg6[%dma_wait3A_292, %dma_wait3A_293] : memref<4x64xi32, #tpu.memory_space<vmem>> -> memref<1x32xi32, #tpu.memory_space<vmem>>
    %dma_wait3A_295 = tpu.memref_squeeze %dma_wait3A_294 : memref<1x32xi32, #tpu.memory_space<vmem>> -> memref<32xi32, #tpu.memory_space<vmem>>
    %dma_wait3A_296 = arith.constant 0 : i32
    %dma_wait3A_297 = arith.constant 0 : i32
    %dma_wait3A_298 = tpu.memref_slice %arg3[%dma_wait3A_296, %dma_wait3A_297] : memref<37000x512xf32, #tpu.memory_space<hbm>> -> memref<37000x512xf32, #tpu.memory_space<hbm>>
    tpu.wait_indirect_dma semaphore(%arg17 : memref<!tpu.dma_semaphore, #tpu.memory_space<semaphore_mem>>) src(%dma_wait3A_298 : memref<37000x512xf32, #tpu.memory_space<hbm>>) dst(%arg9 : memref<32x512xf32, #tpu.memory_space<vmem>>)
    %parallel_loop3A_299 = arith.constant 0 : i32
    %parallel_loop3A_300 = arith.constant 512 : i32
    %parallel_loop3A_301 = arith.constant 1 : i32
    scf.for %parallel_loop3A_334 = %parallel_loop3A_299 to %parallel_loop3A_300 step %parallel_loop3A_301  : i32 {
      %parallel_loop3A_335 = arith.constant 4 : i32
      %parallel_loop3A_336 = arith.shrui %parallel_loop3A_334, %parallel_loop3A_335 : i32
      %parallel_loop3A_337 = arith.constant 15 : i32
      %parallel_loop3A_338 = arith.andi %parallel_loop3A_334, %parallel_loop3A_337 : i32
      %parallel_loop3A_339 = arith.constant 32 : i32
      %parallel_loop3A_340 = arith.muli %parallel_loop3A_338, %parallel_loop3A_339 : i32
      %parallel_loop3A_341 = arith.constant 15 : i32
      %parallel_loop3A_342 = arith.andi %parallel_loop3A_334, %parallel_loop3A_341 : i32
      %parallel_loop3A_343 = arith.constant 16 : i32
      %parallel_loop3A_344 = arith.muli %parallel_loop3A_342, %parallel_loop3A_343 : i32
      %parallel_loop3A_345 = arith.constant 32 : i32
      %parallel_loop3A_346 = arith.addi %parallel_loop3A_345, %parallel_loop3A_336 : i32
      %parallel_loop3A_347 = arith.constant 256 : i32
      %parallel_loop3A_348 = arith.muli %parallel_loop3A_346, %parallel_loop3A_347 : i32
      %parallel_loop3A_349 = arith.addi %parallel_loop3A_348, %parallel_loop3A_344 : i32
      %parallel_loop3A_350 = arith.index_cast %parallel_loop3A_349 : i32 to index
      %parallel_loop3A_351 = tpu.vector_load %arg7[%parallel_loop3A_350] {strides = array<i32>} : memref<16384xi32, #tpu.memory_space<vmem>>, vector<16xi32>,
      %parallel_loop3A_352 = vector.shape_cast %parallel_loop3A_351 : vector<16xi32> to vector<16xi32>
      %parallel_loop3A_353 = arith.constant 16 : i32
      %parallel_loop3A_354 = vector.broadcast %parallel_loop3A_353 : i32 to vector<16xi32>
      %parallel_loop3A_355 = arith.shli %parallel_loop3A_352, %parallel_loop3A_354 : vector<16xi32>
      %parallel_loop3A_356 = tpu.bitcast %parallel_loop3A_355 : vector<16xi32> -> vector<16xf32>
      %parallel_loop3A_357 = arith.constant -65536 : i32
      %parallel_loop3A_358 = vector.broadcast %parallel_loop3A_357 : i32 to vector<16xi32>
      %parallel_loop3A_359 = arith.andi %parallel_loop3A_352, %parallel_loop3A_358 : vector<16xi32>
      %parallel_loop3A_360 = tpu.bitcast %parallel_loop3A_359 : vector<16xi32> -> vector<16xf32>
      %parallel_loop3A_361 = arith.constant 16 : i32
      %parallel_loop3A_362 = arith.addi %parallel_loop3A_340, %parallel_loop3A_361 : i32
      %parallel_loop3A_363 = arith.index_cast %parallel_loop3A_336 : i32 to index
      %parallel_loop3A_364 = arith.index_cast %parallel_loop3A_340 : i32 to index
      %parallel_loop3A_365 = tpu.vector_load %arg9[%parallel_loop3A_363, %parallel_loop3A_364] {strides = array<i32>} : memref<32x512xf32, #tpu.memory_space<vmem>>, vector<1x16xf32>,
      %parallel_loop3A_366 = vector.shape_cast %parallel_loop3A_365 : vector<1x16xf32> to vector<16xf32>
      %parallel_loop3A_367 = arith.constant 22.6274166 : f32
      %parallel_loop3A_368 = vector.broadcast %parallel_loop3A_367 : f32 to vector<16xf32>
      %parallel_loop3A_369 = arith.mulf %parallel_loop3A_366, %parallel_loop3A_368 : vector<16xf32>
      %parallel_loop3A_370 = arith.addf %parallel_loop3A_369, %parallel_loop3A_356 : vector<16xf32>
      %parallel_loop3A_371 = arith.index_cast %parallel_loop3A_336 : i32 to index
      %parallel_loop3A_372 = arith.index_cast %parallel_loop3A_340 : i32 to index
      %parallel_loop3A_373 = tpu.vector_load %arg9[%parallel_loop3A_371, %parallel_loop3A_372] {strides = array<i32>} : memref<32x512xf32, #tpu.memory_space<vmem>>, vector<1x16xf32>,
      %parallel_loop3A_374 = vector.shape_cast %parallel_loop3A_373 : vector<1x16xf32> to vector<16xf32>
      %parallel_loop3A_375 = vector.shape_cast %parallel_loop3A_370 : vector<16xf32> to vector<1x16xf32>
      tpu.vector_store %arg9[%parallel_loop3A_371, %parallel_loop3A_372], %parallel_loop3A_375 {strides = array<i32>} : memref<32x512xf32, #tpu.memory_space<vmem>>, vector<1x16xf32>,
      %parallel_loop3A_376 = arith.index_cast %parallel_loop3A_336 : i32 to index
      %parallel_loop3A_377 = arith.index_cast %parallel_loop3A_362 : i32 to index
      %parallel_loop3A_378 = tpu.vector_load %arg9[%parallel_loop3A_376, %parallel_loop3A_377] {strides = array<i32>} : memref<32x512xf32, #tpu.memory_space<vmem>>, vector<1x16xf32>,
      %parallel_loop3A_379 = vector.shape_cast %parallel_loop3A_378 : vector<1x16xf32> to vector<16xf32>
      %parallel_loop3A_380 = arith.constant 22.6274166 : f32
      %parallel_loop3A_381 = vector.broadcast %parallel_loop3A_380 : f32 to vector<16xf32>
      %parallel_loop3A_382 = arith.mulf %parallel_loop3A_379, %parallel_loop3A_381 : vector<16xf32>
      %parallel_loop3A_383 = arith.addf %parallel_loop3A_382, %parallel_loop3A_360 : vector<16xf32>
      %parallel_loop3A_384 = arith.index_cast %parallel_loop3A_336 : i32 to index
      %parallel_loop3A_385 = arith.index_cast %parallel_loop3A_362 : i32 to index
      %parallel_loop3A_386 = tpu.vector_load %arg9[%parallel_loop3A_384, %parallel_loop3A_385] {strides = array<i32>} : memref<32x512xf32, #tpu.memory_space<vmem>>, vector<1x16xf32>,
      %parallel_loop3A_387 = vector.shape_cast %parallel_loop3A_386 : vector<1x16xf32> to vector<16xf32>
      %parallel_loop3A_388 = vector.shape_cast %parallel_loop3A_383 : vector<16xf32> to vector<1x16xf32>
      tpu.vector_store %arg9[%parallel_loop3A_384, %parallel_loop3A_385], %parallel_loop3A_388 {strides = array<i32>} : memref<32x512xf32, #tpu.memory_space<vmem>>, vector<1x16xf32>,
    } {sc.loop_unroll_factor = 4 : i64, sc.parallel_access}
    %add3A_302 = arith.constant 6144 : i32
    %add3A_303 = arith.addi %add3A_302, %mul3A_2 : i32
    %add3A_304 = arith.constant 32 : i32
    %add3A_305 = arith.addi %add3A_303, %add3A_304 : i32
    %dma_start3A_306 = arith.constant 0 : i32
    %dma_start3A_307 = tpu.memref_slice %arg5[%add3A_305, %dma_start3A_306] : memref<8192x512xf32, #tpu.memory_space<hbm>> -> memref<32x512xf32, #tpu.memory_space<hbm>>
    %dma_start3A_308 = arith.constant 0 : i32
    %dma_start3A_309 = tpu.memref_slice %arg5[%add3A_305, %dma_start3A_308] : memref<8192x512xf32, #tpu.memory_space<hbm>> -> memref<32x512xf32, #tpu.memory_space<hbm>>
    tpu.enqueue_dma source(%arg9 : memref<32x512xf32, #tpu.memory_space<vmem>>) target(%dma_start3A_309 : memref<32x512xf32, #tpu.memory_space<hbm>>) target_semaphore(%arg23 : memref<!tpu.dma_semaphore, #tpu.memory_space<semaphore_mem>>)
    %dma_wait3A_310 = arith.constant 0 : i32
    %dma_wait3A_311 = tpu.memref_slice %arg5[%add3A_215, %dma_wait3A_310] : memref<8192x512xf32, #tpu.memory_space<hbm>> -> memref<32x512xf32, #tpu.memory_space<hbm>>
    %dma_wait3A_312 = arith.constant 0 : i32
    %dma_wait3A_313 = tpu.memref_slice %arg5[%add3A_215, %dma_wait3A_312] : memref<8192x512xf32, #tpu.memory_space<hbm>> -> memref<32x512xf32, #tpu.memory_space<hbm>>
    tpu.wait_dma2 semaphore(%arg24 : memref<!tpu.dma_semaphore, #tpu.memory_space<semaphore_mem>>) src(%arg10 : memref<32x512xf32, #tpu.memory_space<vmem>>) dst(%dma_wait3A_313 : memref<32x512xf32, #tpu.memory_space<hbm>>)
    %dma_wait3A_314 = arith.constant 0 : i32
    %dma_wait3A_315 = tpu.memref_slice %arg5[%add3A_233, %dma_wait3A_314] : memref<8192x512xf32, #tpu.memory_space<hbm>> -> memref<32x512xf32, #tpu.memory_space<hbm>>
    %dma_wait3A_316 = arith.constant 0 : i32
    %dma_wait3A_317 = tpu.memref_slice %arg5[%add3A_233, %dma_wait3A_316] : memref<8192x512xf32, #tpu.memory_space<hbm>> -> memref<32x512xf32, #tpu.memory_space<hbm>>
    tpu.wait_dma2 semaphore(%arg25 : memref<!tpu.dma_semaphore, #tpu.memory_space<semaphore_mem>>) src(%arg11 : memref<32x512xf32, #tpu.memory_space<vmem>>) dst(%dma_wait3A_317 : memref<32x512xf32, #tpu.memory_space<hbm>>)
    %dma_wait3A_318 = arith.constant 0 : i32
    %dma_wait3A_319 = tpu.memref_slice %arg5[%add3A_251, %dma_wait3A_318] : memref<8192x512xf32, #tpu.memory_space<hbm>> -> memref<32x512xf32, #tpu.memory_space<hbm>>
    %dma_wait3A_320 = arith.constant 0 : i32
    %dma_wait3A_321 = tpu.memref_slice %arg5[%add3A_251, %dma_wait3A_320] : memref<8192x512xf32, #tpu.memory_space<hbm>> -> memref<32x512xf32, #tpu.memory_space<hbm>>
    tpu.wait_dma2 semaphore(%arg26 : memref<!tpu.dma_semaphore, #tpu.memory_space<semaphore_mem>>) src(%arg12 : memref<32x512xf32, #tpu.memory_space<vmem>>) dst(%dma_wait3A_321 : memref<32x512xf32, #tpu.memory_space<hbm>>)
    %dma_wait3A_322 = arith.constant 0 : i32
    %dma_wait3A_323 = tpu.memref_slice %arg5[%add3A_269, %dma_wait3A_322] : memref<8192x512xf32, #tpu.memory_space<hbm>> -> memref<32x512xf32, #tpu.memory_space<hbm>>
    %dma_wait3A_324 = arith.constant 0 : i32
    %dma_wait3A_325 = tpu.memref_slice %arg5[%add3A_269, %dma_wait3A_324] : memref<8192x512xf32, #tpu.memory_space<hbm>> -> memref<32x512xf32, #tpu.memory_space<hbm>>
    tpu.wait_dma2 semaphore(%arg27 : memref<!tpu.dma_semaphore, #tpu.memory_space<semaphore_mem>>) src(%arg13 : memref<32x512xf32, #tpu.memory_space<vmem>>) dst(%dma_wait3A_325 : memref<32x512xf32, #tpu.memory_space<hbm>>)
    %dma_wait3A_326 = arith.constant 0 : i32
    %dma_wait3A_327 = tpu.memref_slice %arg5[%add3A_287, %dma_wait3A_326] : memref<8192x512xf32, #tpu.memory_space<hbm>> -> memref<32x512xf32, #tpu.memory_space<hbm>>
    %dma_wait3A_328 = arith.constant 0 : i32
    %dma_wait3A_329 = tpu.memref_slice %arg5[%add3A_287, %dma_wait3A_328] : memref<8192x512xf32, #tpu.memory_space<hbm>> -> memref<32x512xf32, #tpu.memory_space<hbm>>
    tpu.wait_dma2 semaphore(%arg22 : memref<!tpu.dma_semaphore, #tpu.memory_space<semaphore_mem>>) src(%arg8 : memref<32x512xf32, #tpu.memory_space<vmem>>) dst(%dma_wait3A_329 : memref<32x512xf32, #tpu.memory_space<hbm>>)
    %dma_wait3A_330 = arith.constant 0 : i32
    %dma_wait3A_331 = tpu.memref_slice %arg5[%add3A_305, %dma_wait3A_330] : memref<8192x512xf32, #tpu.memory_space<hbm>> -> memref<32x512xf32, #tpu.memory_space<hbm>>
    %dma_wait3A_332 = arith.constant 0 : i32
    %dma_wait3A_333 = tpu.memref_slice %arg5[%add3A_305, %dma_wait3A_332] : memref<8192x512xf32, #tpu.memory_space<hbm>> -> memref<32x512xf32, #tpu.memory_space<hbm>>
    tpu.wait_dma2 semaphore(%arg23 : memref<!tpu.dma_semaphore, #tpu.memory_space<semaphore_mem>>) src(%arg9 : memref<32x512xf32, #tpu.memory_space<vmem>>) dst(%dma_wait3A_333 : memref<32x512xf32, #tpu.memory_space<hbm>>)
    return
  }
}

</mosaic_0001>

<sc_bundles>
// kernel: kernel.3.cloned.1.call-start
scs
__scs_entry_jumppad:
0x0: {  	(pc) =	sbr.rel $0x88, $3  }
0x1: {  	(tag) =	ssettag $0x0;
	lr =	simm.s32 $0x1  }
0x2: {  	[smem:$0x3F9F] =	sst lr;
	_ =	strace $0xD0000000  }
0x3: {  	_ = 	snop  }
0x4: {  	_ = 	snop  }
0x5: {  	_ = 	snop  }
0x6: {  	_ = 	snop  }
0x7: {  	_ = 	snop  }
__scs_overlays_trampoline_lowered:
0x8: {  	[smem:$0x3FAE] =	sst s0  }
0x9: {  	[smem:$0x3FAF] =	sst s1  }
0xa: {  	[smem:$0x3FB0] =	sst s2  }
0xb: {  	[smem:$0x3FB1] =	sst s3  }
0xc: {  	[smem:$0x3FB2] =	sst s4  }
0xd: {  	[smem:$0x3FB3] =	sst s5  }
0xe: {  	[smem:$0x3FB4] =	sst s6  }
0xf: {  	[smem:$0x3FB5] =	sst s7  }
0x10: {  	[smem:$0x3FB6] =	sst s8  }
0x11: {  	[smem:$0x3FB7] =	sst s9;
	s0 =	simm.s32 @!p0 $0x0  }
0x12: {  	s1 =	sld [smem:$0x3F9D];
	s0 =	simm.s32 @p0 $0x1  }
0x13: {  	[smem:$0x3FB8] =	sst s0;
	s0 =	simm.s32 @!p1 $0x0  }
0x14: {  	s2 =	sld [smem:$0x3F9C];
	s0 =	simm.s32 @p1 $0x1  }
0x15: {  	[smem:$0x3FB9] =	sst s0;
	s0 =	simm.s32 @!p2 $0x0  }
0x16: {  	s3 =	sld [smem:$0x3FDB];
	s0 =	simm.s32 @p2 $0x1  }
0x17: {  	s4 =	simm.s32 $0x1BF5;
	[smem:$0x3FBB] =	sst s0  }
0x18: {  	s0 =	sld [smem:$0x3F9E];
	_ =	swait.ge [sflag:s4], $0x0  }
0x19: {  	s7 =	sld [smem:$0x3F9F]  }
0x1a: {  	s8 =	sadd.s32 $0xFFFFE003, lr  }
0x1b: {  	s9 =	sadd.s32 $0xFFFFFEF7, lr;
	s5 =	simm.s32 $0xFFFFFFFF;
	p2 =	slt.u32 s8, $0xFFFFF086  }
0x1c: {  	p1 =	slt.u32 s9, $0xF7A;
	s5 =	simm.s32 @!p2 $0x0  }
0x1d: {  	s5 =	simm.s32 @p1 $0x1;
	p0 =	seq.s32 s7, s2  }
0x1e: {  	s7 =	smul.u32 @!p0 $0xF7A, s2;
	p2 =	seq.s32 @!p0 s5, $0x0  }
0x1f: {  	s9 =	smul.u32 $0xF7A, s1;
	s8 =	simm.s32 @!p0 $0x1BF5;
	p2 =	por !p2, p0  }
0x20: {  	[sflag:s8] =	ssyncset.s32 @!p0 $0xFFFFF086;
	s6 =	sadd.s32 @!p0 s3, s7;
	s7 =	simm.s32 @!p0 $0x108  }
0x21: {  	s3 =	sadd.s32 s3, s9;
	s6 =	sadd.s32 @!p0 $0x88, s6;
	s7 =	simm.s32 @p2 $0x1082  }
0x22: {  	[simem:s7], [sflag:s8] =	dma.local @!p0 [hbm:s6], $0xF7A  }
0x23: {  	s9 =	sor.u32 $0xD0000000, s2;
	s6 =	simm.s32 $0x108;
	_ =	swait.ge @!p0 [sflag:s8], $0x0  }
0x24: {  	s3 =	sadd.s32 $0x88, s3;
	s6 =	simm.s32 @!p1 $0x1082;
	[sflag:s4] =	ssyncset.s32 $0xFFFFF086  }
0x25: {  	[simem:s6], [sflag:s4] =	dma.local [hbm:s3], $0xF7A  }
0x26: {  	[smem:$0x3F9F] =	sst s1;
	(tag) =	ssettag s2;
	_ =	strace s9  }
0x27: {  	s1 =	sld [smem:$0x3FAF]  }
0x28: {  	s2 =	sld [smem:$0x3FB0]  }
0x29: {  	s4 =	sld [smem:$0x3FB2]  }
0x2a: {  	p0 =	seq.s32 s5, $0x0;
	s5 =	sld [smem:$0x3FB3]  }
0x2b: {  	s6 =	sld [smem:$0x3FB4]  }
0x2c: {  	s7 =	sld [smem:$0x3FB5]  }
0x2d: {  	s3 =	simm.s32 $0x108;
	s8 =	sld [smem:$0x3FB6]  }
0x2e: {  	s3 =	simm.s32 @!p0 $0x1082;
	s9 =	sld [smem:$0x3FB7]  }
0x2f: {  	lr =	sadd.s32 s0, s3;
	s0 =	sld [smem:$0x3FAE]  }
0x30: {  	s3 =	sld [smem:$0x3FB1]  }
0x31: {  	[smem:$0x3FBA] =	sst s10  }
0x32: {  	s10 =	sld [smem:$0x3FB8];
	_ =	sdelay $0x3  }
0x33: {  	p0 =	seq.s32 s10, $0x1;
	s10 =	sld [smem:$0x3FBA];
	_ =	sdelay $0x3  }
0x34: {  	[smem:$0x3FBA] =	sst s10  }
0x35: {  	s10 =	sld [smem:$0x3FB9];
	_ =	sdelay $0x3  }
0x36: {  	p1 =	seq.s32 s10, $0x1;
	s10 =	sld [smem:$0x3FBA];
	_ =	sdelay $0x3  }
0x37: {  	[smem:$0x3FBA] =	sst s10  }
0x38: {  	s10 =	sld [smem:$0x3FBB]  }
0x39: {  	_ = 	snop;
	(pc) =	sbr.ind lr, $3  }
0x3a: {  	_ = 	snop  }
0x3b: {  	_ = 	snop  }
0x3c: {  	p2 =	seq.s32 s10, $0x1;
	s10 =	sld [smem:$0x3FBA]  }
0x3d: {  	_ =	shalt  }
0x3e: {  	_ =	shalt  }
0x3f: {  	_ =	shalt  }
0x40: {  	_ =	shalt  }
0x41: {  	_ =	shalt  }
0x42: {  	_ =	shalt  }
0x43: {  	_ =	shalt  }
0x44: {  	_ =	shalt  }
0x45: {  	_ =	shalt  }
0x46: {  	_ =	shalt  }
0x47: {  	_ =	shalt  }
0x48: {  	_ =	shalt  }
0x49: {  	_ =	shalt  }
0x4a: {  	_ =	shalt  }
0x4b: {  	_ =	shalt  }
0x4c: {  	_ =	shalt  }
0x4d: {  	_ =	shalt  }
0x4e: {  	_ =	shalt  }
0x4f: {  	_ =	shalt  }
0x50: {  	_ =	shalt  }
0x51: {  	_ =	shalt  }
0x52: {  	_ =	shalt  }
0x53: {  	_ =	shalt  }
0x54: {  	_ =	shalt  }
0x55: {  	_ =	shalt  }
0x56: {  	_ =	shalt  }
0x57: {  	_ =	shalt  }
0x58: {  	_ =	shalt  }
0x59: {  	_ =	shalt  }
0x5a: {  	_ =	shalt  }
0x5b: {  	_ =	shalt  }
0x5c: {  	_ =	shalt  }
0x5d: {  	_ =	shalt  }
0x5e: {  	_ =	shalt  }
0x5f: {  	_ =	shalt  }
0x60: {  	_ =	shalt  }
0x61: {  	_ =	shalt  }
0x62: {  	_ =	shalt  }
0x63: {  	_ =	shalt  }
0x64: {  	_ =	shalt  }
0x65: {  	_ =	shalt  }
0x66: {  	_ =	shalt  }
0x67: {  	_ =	shalt  }
0x68: {  	_ =	shalt  }
0x69: {  	_ =	shalt  }
0x6a: {  	_ =	shalt  }
0x6b: {  	_ =	shalt  }
0x6c: {  	_ =	shalt  }
0x6d: {  	_ =	shalt  }
0x6e: {  	_ =	shalt  }
0x6f: {  	_ =	shalt  }
0x70: {  	_ =	shalt  }
0x71: {  	_ =	shalt  }
0x72: {  	_ =	shalt  }
0x73: {  	_ =	shalt  }
0x74: {  	_ =	shalt  }
0x75: {  	_ =	shalt  }
0x76: {  	_ =	shalt  }
0x77: {  	_ =	shalt  }
0x78: {  	_ =	shalt  }
0x79: {  	_ =	shalt  }
0x7a: {  	_ =	shalt  }
0x7b: {  	_ =	shalt  }
0x7c: {  	_ =	shalt  }
0x7d: {  	_ =	shalt  }
0x7e: {  	_ =	shalt  }
0x7f: {  	_ =	shalt  }
0x80: {  	_ =	shalt  }
0x81: {  	_ =	shalt  }
0x82: {  	_ =	shalt  }
0x83: {  	_ =	shalt  }
0x84: {  	_ =	shalt  }
0x85: {  	_ =	shalt  }
0x86: {  	_ =	shalt  }
0x87: {  	_ =	shalt  }
.Lfunc_end0:
.L_simem_size_0:
called_computation_lowered:
.L_overlay_start_0:
0x88: {  	s2 =	sld [smem:$0x3FD9]  }
0x89: {  	s3 =	sld [smem:$0x3FFE];
	_ =	sdelay $0x1  }
0x8a: {  	s1 =	srdreg.scid  }
0x8b: {  	s0 =	sand.u32 $0x1, s1  }
0x8c: {  	s17 =	sshll.u32 s0, $0xA;
	s2 =	sadd.s32 s3, s2  }
0x8d: {  	s2 =	sadd.s32 s2, s17  }
0x8e: {  	[smem:$0x3FC6] =	sst s2  }
0x8f: {  	_ = 	snop  }
0x90: {  	s2 =	sld [smem:$0x3FC9]  }
0x91: {  	s18 =	sld [smem:$0x3FC8]  }
0x92: {  	s4 =	sld [smem:$0x3FD0];
	(tm) =	ssettm $0x1  }
0x93: {  	s5 =	sld [smem:$0x3FFB];
	_ =	sdelay $0x3  }
0x94: {  	_ =	strace s5  }
0x95: {  	s5 =	sld [smem:$0x3FFC];
	_ =	sdelay $0x3  }
0x96: {  	_ =	strace s5  }
0x97: {  	s5 =	sld [smem:$0x3FFD];
	_ =	sdelay $0x3  }
0x98: {  	_ =	strace s5  }
0x99: {  	_ =	strace $0x8FFFFFFF  }
0x9a: {  	s19 =	sld [smem:$0x3FDB];
	_ =	sdelay $0x1  }
0x9b: {  	s6 =	simm.s32 $_scs_section_size  }
0x9c: {  	s7 =	simm.s32 $_size__tile_overlayer_lowered;
	s8 =	simm.s32 $_tile_overlayer_lowered  }
0x9d: {  	s22 =	simm.s32 $0x1BFF;
	s21 =	sshll.u32 s8, $0x1;
	s5 =	sadd.s32 s6, s19  }
0x9e: {  	s9 =	simm.s32 $0x0;
	s20 =	sshll.u32 s7, $0x1;
	s7 =	sadd.s32 s21, s5  }
0x9f: {  	[timem:s9], [sflag:s22] =	dma.local [hbm:s7], s20  }
0xa0: {  	_ =	swait.ge [sflag:s22], s20  }
0xa1: {  	s6 =	ssub.s32 $0x0, s20;
	[sflag:s22] =	ssyncset.done $0x0  }
0xa2: {  	[sflag:s22] =	ssyncadd.s32 s6;
	_ =	sdelay $0x1  }
0xa3: {  	s23 =	simm.s32 $0x1B8B  }
0xa4: {  	_ =	swait.ge [sflag:s23], $0x1  }
0xa5: {  	[sflag:s23] =	ssyncset.done $0x0  }
0xa6: {  	s25 =	simm.s32 $0x1B8E;
	s24 =	sld [smem:$0x3FFE];
	[sflag:s23] =	ssyncadd.s32 $0xFFFFFFFF  }
0xa7: {  	s26 =	simm.s32 $execute0_lowered;
	[smem:$0x3FD2] =	sst s25  }
0xa8: {  	s7 =	sshll.u32 s26, $0x1;
	_ =	strace $0x80000046;
	[dreg:$0x1] =	wrdreg $0xFFFFFFFF  }
0xa9: {  	s28 =	simm.s32 $_size_execute0_lowered;
	s5 =	sadd.s32 s5, s7;
	[dreg:$0x0] =	wrdreg $0x0  }
0xaa: {  	s7 =	sshll.u32 s28, $0x1;
	[dreg:$0x2] =	wrdreg s5  }
0xab: {  	[dreg:$0x3] =	wrdreg s7  }
0xac: {  	[dreg:$0x4] =	wrdreg $0xC0  }
0xad: {  	_ =	task [dreg:s9], $0x5FFFF  }
0xae: {  	[dreg:$0x1] =	wrdreg $0xFFFFFFFF  }
0xaf: {  	[dreg:$0x0] =	wrdreg $0x60  }
0xb0: {  	[dreg:$0x2] =	wrdreg s2  }
0xb1: {  	[dreg:$0x3] =	wrdreg s18  }
0xb2: {  	[dreg:$0x4] =	wrdreg s24  }
0xb3: {  	[dreg:$0x5] =	wrdreg s4  }
0xb4: {  	[dreg:$0x6] =	wrdreg $0x9  }
0xb5: {  	_ =	task.clear_ibuf [dreg:s9], $0x7FFFF;
	_ =	strace $0x90000046  }
0xb6: {  	s29 =	simm.s32 $0x9;
	_ =	strace $0x80000048  }
0xb7: {  	_ =	swait.ge [sflag:s29], $0x1  }
0xb8: {  	[sflag:s29] =	ssyncadd.s32 $0xFFFFFFFF  }
0xb9: {  	_ =	strace $0x90000048  }
0xba: {  	_ =	sfence  }
0xbb: {  	s30 =	sld [smem:$0x0];
	_ =	sdelay $0x2  }
0xbc: {  	s31 =	sshll.u32 s1, $0xD;
	s1 =	sshrl.u32 s1, $0x2  }
0xbd: {  	s3 =	sand.u32 $0x4000, s31;
	s1 =	sadd.s32 s1, s30  }
0xbe: {  	s0 =	sor.u32 s3, s0;
	s1 =	sshll.u32 s1, $0x11  }
0xbf: {  	s0 =	sor.u32 s1, s0  }
0xc0: {  	s0 =	sadd.s32 $0x8F2B, s0  }
0xc1: {  	[sflag:s0] =	ssyncadd.remote.s32 $0x1  }
0xc2: {  	_ =	sfence.sel $0xFFFF  }
0xc3: {  	[dreg:$0x0] =	wrdreg $0xFFFFFFFF;
	(pc) =	sbr.abs _section_cstart, $3  }
0xc4: {  	[dreg:$0x1] =	wrdreg $0xFFFFFFFF  }
0xc5: {  	_ =	task.clear_ibuf [dreg:s9], $0x2FFFF;
	_ =	strace $0x9FFFFFFF  }
0xc6: {  	(tm) =	ssettm $0x7FFFFFFF  }
0xc7: {  	_ =	shalt  }
tec
execute0_lowered:
.L_overlay_start_1:
0x0: {  	(tag) =	ssettag $0x1  }
0x1: {  	s0 =	rddreg [dreg:$0x0]  }
0x2: {  	s1 =	rddreg [dreg:$0x1]  }
0x3: {  	s2 =	rddreg [dreg:$0x2]  }
0x4: {  	s5 =	rddreg [dreg:$0x3]  }
0x5: {  	s4 =	srdreg.scid;
	s6 =	stileid.u32  }
0x6: {  	s3 =	simm.s32 $0x0;
	s28 =	simm.s32 $0xC;
	s29 =	simm.s32 $0xD  }
0x7: {  	s4 =	sand.u32 $0x1, s4;
	s6 =	sshll.u32 s6, $0x1;
	[smem:$0x7FF] =	sst s3  }
0x8: {  	s12 =	simm.s32 $0x0;
	s6 =	sor.u32 s4, s6;
	_ =	strace $0x80000047  }
0x9: {  	s9 =	sshll.u32 s4, $0x6;
	s4 =	ssub.s32 $0x2, s4;
	s7 =	sshll.u32 s6, $0x8  }
0xa: {  	s8 =	sshll.u32 s6, $0xB;
	s17 =	sshrl.u32 s4, $0x1;
	s21 =	sshll.u32 s6, $0xC  }
0xb: {  	s6 =	simm.s32 $0x4;
	s10 =	sand.u32 $0x1E00, s7;
	s2 =	sadd.s32 s8, s2  }
0xc: {  	s7 =	sor.u32 s9, s7;
	s11 =	ssub.s32 s4, s17;
	s16 =	sor.u32 s9, s10  }
0xd: {  	s7 =	sshrl.u32 s7, $0x3;
	s2 =	sadd.s32 $0x400, s2;
	s9 =	sadd.s32 $0x100, s1  }
0xe: {  	s10 =	sadd.s32 s5, s21;
	s31 =	smax.u32 s11, $0x1;
	s5 =	simm.s32 $0x2  }
0xf: {  	s21 =	simm.s32 $0xA;
	s11 =	simm.s32 $0xE;
	[dreg:$0x9] =	wrdreg s2  }
0x10: {  	s8 =	sshrl.u32 s16, $0x3;
	s22 =	sadd.s32 $0x20000, s10;
	[dreg:$0x11] =	wrdreg s31  }
0x11: {  	s19 =	sor.u32 $0x20, s7;
	s23 =	sadd.s32 $0x20800, s10;
	[dreg:$0xb] =	wrdreg s22  }
0x12: {  	s7 =	sor.u32 $0x30, s7;
	s24 =	sadd.s32 $0x40000, s10;
	[dreg:$0xc] =	wrdreg s23  }
0x13: {  	s25 =	sadd.s32 $0x40800, s10;
	s26 =	sadd.s32 $0x60000, s10;
	[dreg:$0xd] =	wrdreg s24  }
0x14: {  	s30 =	sadd.s32 $0x60800, s10;
	s2 =	simm.s32 $0x8200;
	[dreg:$0xe] =	wrdreg s25  }
0x15: {  	s18 =	sadd.s32 s0, s8;
	s20 =	sadd.s32 s0, s19;
	[dreg:$0xf] =	wrdreg s26  }
0x16: {  	s0 =	sadd.s32 s0, s7;
	[dreg:$0x10] =	wrdreg s30;
	s23 =	simm.s32 $0x1  }
0x17: {  	s24 =	simm.s32 $0x4200;
	s19 =	simm.s32 $0x3;
	[dreg:$0x5] =	wrdreg s18  }
0x18: {  	s7 =	simm.s32 $0x5;
	s22 =	simm.s32 $0x6;
	[dreg:$0x7] =	wrdreg s20  }
0x19: {  	v2 =	vlaneseq.u32;
	s25 =	simm.s32 $0x7;
	s4 =	sadd.s32 $0x10, s18;
	[dreg:$0x8] =	wrdreg s0  }
0x1a: {  	vm0 =	vmmov $0xffff;
	v1 =	vshrl.u32 v2, $0x3;
	s8 =	simm.s32 $0x8;
	s0 =	sadd.s32 $0x800, s10;
	[dreg:$0x6] =	wrdreg s4  }
0x1b: {  	v0 =	vand.u32 $0x7, v2;
	v2 =	vor.u32 $0x8, v2;
	v1 =	vmul.u32 $0x8, v1;
	s26 =	simm.s32 $0xB;
	s20 =	simm.s32 $0x9;
	[dreg:$0xa] =	wrdreg s0  }
.LBB2_1:
0x1c: {  	s0 =	rddreg [dreg:$0x5]  }
0x1d: {  	[tilespmem:s3], [sflag:$0x1] =	stream.linear.gather [hbm4b:s0+s3], $0x40, $0x38;
	[tilespmem:$0x1C200] =	vst v63  }
0x1e: {  	s31 =	rddreg [dreg:$0x6];
	s4 =	simm.s32 $0x80  }
0x1f: {  	[tilespmem:s4], [sflag:$0x1] =	stream.linear.gather [hbm4b:s31+s3], $0x40, $0x38;
	[tilespmem:$0x1C200] =	vst v63  }
0x20: {  	s13 =	simm.s32 $0x100;
	s4 =	rddreg [dreg:$0x7]  }
0x21: {  	[tilespmem:s13], [sflag:$0x1] =	stream.linear.gather [hbm4b:s4+s3], $0x40, $0x38;
	[tilespmem:$0x1C200] =	vst v63  }
0x22: {  	s14 =	rddreg [dreg:$0x8];
	s15 =	simm.s32 $0x180  }
0x23: {  	[tilespmem:s15], [sflag:$0x1] =	stream.linear.gather [hbm4b:s14+s3], $0x40, $0x38;
	[tilespmem:$0x1C200] =	vst v63  }
0x24: {  	s16 =	rddreg [dreg:$0x9];
	s17 =	simm.s32 $0x200  }
0x25: {  	[tilespmem:s17], [sflag:$0x2] =	stream.linear.gather [hbm4b:s16+s3], $0x4000, $0x38;
	[tilespmem:$0x1C200] =	vst v63  }
0x26: {  	_ =	swait.ge [sflag:s23], $0x40  }
0x27: {  	[sflag:s23] =	ssyncset.done $0x0  }
0x28: {  	[sflag:s23] =	ssyncadd.s32 $0xFFFFFFC0  }
0x29: {  	v3 =	vld [tilespmem:$0x0];
	_ =	sdelay $0x4  }
0x2a: {  	v4 =	vshll.u32 v3, $0x2  }
0x2b: {  	v3 =	vand.u32 $0x7, v3;
	v4 =	vand.u32 $0xFFFFFFE0, v4  }
0x2c: {  	v3 =	vor.u32 v3, v4  }
0x2d: {  	v4 =	vperm.xlane v3, v0;
	_ =	sdelay $0x1  }
0x2e: {  	v4 =	vadd.s32 v1, v4;
	_ =	sdelay $0x1  }
0x2f: {  	v3 =	vperm.xlane v3, v2;
	_ =	sdelay $0x1  }
0x30: {  	v3 =	vadd.s32 v1, v3  }
0x31: {  	[tilespmem:s24], [sflag:$0x3] =	stream.indirect_vreg.gather [hbm4b:s1+s3], $0x80, v4, vm0, $0xb8;
	[tilespmem:$0x1C200] =	vst v63  }
0x32: {  	s18 =	simm.s32 $0x4A00  }
0x33: {  	[tilespmem:s18], [sflag:$0x3] =	stream.indirect_vreg.gather [hbm4b:s9+s3], $0x80, v4, vm0, $0xb8;
	[tilespmem:$0x1C200] =	vst v63  }
0x34: {  	s30 =	simm.s32 $0x5200  }
0x35: {  	[tilespmem:s30], [sflag:$0x3] =	stream.indirect_vreg.gather [hbm4b:s1+s3], $0x80, v3, vm0, $0xb8;
	[tilespmem:$0x1C200] =	vst v63  }
0x36: {  	s31 =	simm.s32 $0x5A00  }
0x37: {  	[tilespmem:s31], [sflag:$0x3] =	stream.indirect_vreg.gather [hbm4b:s9+s3], $0x80, v3, vm0, $0xb8;
	[tilespmem:$0x1C200] =	vst v63  }
0x38: {  	v3 =	vld [tilespmem:$0x10];
	_ =	sdelay $0x4  }
0x39: {  	v4 =	vshll.u32 v3, $0x2  }
0x3a: {  	v3 =	vand.u32 $0x7, v3;
	v4 =	vand.u32 $0xFFFFFFE0, v4  }
0x3b: {  	v3 =	vor.u32 v3, v4  }
0x3c: {  	v4 =	vperm.xlane v3, v0;
	_ =	sdelay $0x1  }
0x3d: {  	v4 =	vadd.s32 v1, v4;
	_ =	sdelay $0x1  }
0x3e: {  	v3 =	vperm.xlane v3, v2;
	_ =	sdelay $0x1  }
0x3f: {  	s4 =	simm.s32 $0x6200;
	v3 =	vadd.s32 v1, v3  }
0x40: {  	[tilespmem:s4], [sflag:$0x3] =	stream.indirect_vreg.gather [hbm4b:s1+s3], $0x80, v4, vm0, $0xb8;
	[tilespmem:$0x1C200] =	vst v63  }
0x41: {  	s13 =	simm.s32 $0x6A00  }
0x42: {  	[tilespmem:s13], [sflag:$0x3] =	stream.indirect_vreg.gather [hbm4b:s9+s3], $0x80, v4, vm0, $0xb8;
	[tilespmem:$0x1C200] =	vst v63  }
0x43: {  	s14 =	simm.s32 $0x7200  }
0x44: {  	[tilespmem:s14], [sflag:$0x3] =	stream.indirect_vreg.gather [hbm4b:s1+s3], $0x80, v3, vm0, $0xb8;
	[tilespmem:$0x1C200] =	vst v63  }
0x45: {  	s15 =	simm.s32 $0x7A00  }
0x46: {  	[tilespmem:s15], [sflag:$0x3] =	stream.indirect_vreg.gather [hbm4b:s9+s3], $0x80, v3, vm0, $0xb8;
	[tilespmem:$0x1C200] =	vst v63  }
0x47: {  	v3 =	vld [tilespmem:$0x20];
	_ =	sdelay $0x4  }
0x48: {  	v4 =	vshll.u32 v3, $0x2  }
0x49: {  	v3 =	vand.u32 $0x7, v3;
	v4 =	vand.u32 $0xFFFFFFE0, v4  }
0x4a: {  	v3 =	vor.u32 v3, v4  }
0x4b: {  	v4 =	vperm.xlane v3, v0;
	_ =	sdelay $0x1  }
0x4c: {  	v4 =	vadd.s32 v1, v4;
	_ =	sdelay $0x1  }
0x4d: {  	v3 =	vperm.xlane v3, v2;
	_ =	sdelay $0x1  }
0x4e: {  	v3 =	vadd.s32 v1, v3  }
0x4f: {  	[tilespmem:s2], [sflag:$0x4] =	stream.indirect_vreg.gather [hbm4b:s1+s3], $0x80, v4, vm0, $0xb8;
	[tilespmem:$0x1C200] =	vst v63  }
0x50: {  	s16 =	simm.s32 $0x8A00  }
0x51: {  	[tilespmem:s16], [sflag:$0x4] =	stream.indirect_vreg.gather [hbm4b:s9+s3], $0x80, v4, vm0, $0xb8;
	[tilespmem:$0x1C200] =	vst v63  }
0x52: {  	s17 =	simm.s32 $0x9200  }
0x53: {  	[tilespmem:s17], [sflag:$0x4] =	stream.indirect_vreg.gather [hbm4b:s1+s3], $0x80, v3, vm0, $0xb8;
	[tilespmem:$0x1C200] =	vst v63  }
0x54: {  	s18 =	simm.s32 $0x9A00  }
0x55: {  	[tilespmem:s18], [sflag:$0x4] =	stream.indirect_vreg.gather [hbm4b:s9+s3], $0x80, v3, vm0, $0xb8;
	[tilespmem:$0x1C200] =	vst v63  }
0x56: {  	v3 =	vld [tilespmem:$0x30];
	_ =	sdelay $0x4  }
0x57: {  	v4 =	vshll.u32 v3, $0x2  }
0x58: {  	v3 =	vand.u32 $0x7, v3;
	v4 =	vand.u32 $0xFFFFFFE0, v4  }
0x59: {  	v3 =	vor.u32 v3, v4  }
0x5a: {  	v4 =	vperm.xlane v3, v0;
	_ =	sdelay $0x1  }
0x5b: {  	v4 =	vadd.s32 v1, v4;
	_ =	sdelay $0x1  }
0x5c: {  	v3 =	vperm.xlane v3, v2;
	_ =	sdelay $0x1  }
0x5d: {  	s30 =	simm.s32 $0xA200;
	v3 =	vadd.s32 v1, v3  }
0x5e: {  	[tilespmem:s30], [sflag:$0x4] =	stream.indirect_vreg.gather [hbm4b:s1+s3], $0x80, v4, vm0, $0xb8;
	[tilespmem:$0x1C200] =	vst v63  }
0x5f: {  	s31 =	simm.s32 $0xAA00  }
0x60: {  	[tilespmem:s31], [sflag:$0x4] =	stream.indirect_vreg.gather [hbm4b:s9+s3], $0x80, v4, vm0, $0xb8;
	[tilespmem:$0x1C200] =	vst v63  }
0x61: {  	s4 =	simm.s32 $0xB200  }
0x62: {  	[tilespmem:s4], [sflag:$0x4] =	stream.indirect_vreg.gather [hbm4b:s1+s3], $0x80, v3, vm0, $0xb8;
	[tilespmem:$0x1C200] =	vst v63  }
0x63: {  	s13 =	simm.s32 $0xBA00  }
0x64: {  	[tilespmem:s13], [sflag:$0x4] =	stream.indirect_vreg.gather [hbm4b:s9+s3], $0x80, v3, vm0, $0xb8;
	[tilespmem:$0x1C200] =	vst v63  }
0x65: {  	_ =	swait.ge [sflag:s23], $0x40  }
0x66: {  	[sflag:s23] =	ssyncset.done $0x0  }
0x67: {  	[sflag:s23] =	ssyncadd.s32 $0xFFFFFFC0  }
0x68: {  	v3 =	vld [tilespmem:$0x80];
	_ =	sdelay $0x4  }
0x69: {  	v4 =	vshll.u32 v3, $0x2  }
0x6a: {  	v3 =	vand.u32 $0x7, v3;
	v4 =	vand.u32 $0xFFFFFFE0, v4  }
0x6b: {  	v3 =	vor.u32 v3, v4  }
0x6c: {  	v4 =	vperm.xlane v3, v0;
	_ =	sdelay $0x1  }
0x6d: {  	v4 =	vadd.s32 v1, v4;
	_ =	sdelay $0x1  }
0x6e: {  	v3 =	vperm.xlane v3, v2;
	_ =	sdelay $0x1  }
0x6f: {  	s14 =	simm.s32 $0xC200;
	v3 =	vadd.s32 v1, v3  }
0x70: {  	[tilespmem:s14], [sflag:$0x5] =	stream.indirect_vreg.gather [hbm4b:s1+s3], $0x80, v4, vm0, $0xb8;
	[tilespmem:$0x1C200] =	vst v63  }
0x71: {  	s15 =	simm.s32 $0xCA00  }
0x72: {  	[tilespmem:s15], [sflag:$0x5] =	stream.indirect_vreg.gather [hbm4b:s9+s3], $0x80, v4, vm0, $0xb8;
	[tilespmem:$0x1C200] =	vst v63  }
0x73: {  	s16 =	simm.s32 $0xD200  }
0x74: {  	[tilespmem:s16], [sflag:$0x5] =	stream.indirect_vreg.gather [hbm4b:s1+s3], $0x80, v3, vm0, $0xb8;
	[tilespmem:$0x1C200] =	vst v63  }
0x75: {  	s17 =	simm.s32 $0xDA00  }
0x76: {  	[tilespmem:s17], [sflag:$0x5] =	stream.indirect_vreg.gather [hbm4b:s9+s3], $0x80, v3, vm0, $0xb8;
	[tilespmem:$0x1C200] =	vst v63  }
0x77: {  	v3 =	vld [tilespmem:$0x90];
	_ =	sdelay $0x4  }
0x78: {  	v4 =	vshll.u32 v3, $0x2  }
0x79: {  	v3 =	vand.u32 $0x7, v3;
	v4 =	vand.u32 $0xFFFFFFE0, v4  }
0x7a: {  	v3 =	vor.u32 v3, v4  }
0x7b: {  	v4 =	vperm.xlane v3, v0;
	_ =	sdelay $0x1  }
0x7c: {  	v4 =	vadd.s32 v1, v4;
	_ =	sdelay $0x1  }
0x7d: {  	v3 =	vperm.xlane v3, v2;
	_ =	sdelay $0x1  }
0x7e: {  	s18 =	simm.s32 $0xE200;
	v3 =	vadd.s32 v1, v3  }
0x7f: {  	[tilespmem:s18], [sflag:$0x5] =	stream.indirect_vreg.gather [hbm4b:s1+s3], $0x80, v4, vm0, $0xb8;
	[tilespmem:$0x1C200] =	vst v63  }
0x80: {  	s30 =	simm.s32 $0xEA00  }
0x81: {  	[tilespmem:s30], [sflag:$0x5] =	stream.indirect_vreg.gather [hbm4b:s9+s3], $0x80, v4, vm0, $0xb8;
	[tilespmem:$0x1C200] =	vst v63  }
0x82: {  	s31 =	simm.s32 $0xF200  }
0x83: {  	[tilespmem:s31], [sflag:$0x5] =	stream.indirect_vreg.gather [hbm4b:s1+s3], $0x80, v3, vm0, $0xb8;
	[tilespmem:$0x1C200] =	vst v63  }
0x84: {  	s4 =	simm.s32 $0xFA00  }
0x85: {  	[tilespmem:s4], [sflag:$0x5] =	stream.indirect_vreg.gather [hbm4b:s9+s3], $0x80, v3, vm0, $0xb8;
	[tilespmem:$0x1C200] =	vst v63  }
0x86: {  	v3 =	vld [tilespmem:$0xA0];
	_ =	sdelay $0x4  }
0x87: {  	v4 =	vshll.u32 v3, $0x2  }
0x88: {  	v3 =	vand.u32 $0x7, v3;
	v4 =	vand.u32 $0xFFFFFFE0, v4  }
0x89: {  	v3 =	vor.u32 v3, v4  }
0x8a: {  	v4 =	vperm.xlane v3, v0;
	_ =	sdelay $0x1  }
0x8b: {  	v4 =	vadd.s32 v1, v4;
	_ =	sdelay $0x1  }
0x8c: {  	v3 =	vperm.xlane v3, v2;
	_ =	sdelay $0x1  }
0x8d: {  	s13 =	simm.s32 $0x10200;
	v3 =	vadd.s32 v1, v3  }
0x8e: {  	[tilespmem:s13], [sflag:$0x6] =	stream.indirect_vreg.gather [hbm4b:s1+s3], $0x80, v4, vm0, $0xb8;
	[tilespmem:$0x1C200] =	vst v63  }
0x8f: {  	s14 =	simm.s32 $0x10A00  }
0x90: {  	[tilespmem:s14], [sflag:$0x6] =	stream.indirect_vreg.gather [hbm4b:s9+s3], $0x80, v4, vm0, $0xb8;
	[tilespmem:$0x1C200] =	vst v63  }
0x91: {  	s15 =	simm.s32 $0x11200  }
0x92: {  	[tilespmem:s15], [sflag:$0x6] =	stream.indirect_vreg.gather [hbm4b:s1+s3], $0x80, v3, vm0, $0xb8;
	[tilespmem:$0x1C200] =	vst v63  }
0x93: {  	s16 =	simm.s32 $0x11A00  }
0x94: {  	[tilespmem:s16], [sflag:$0x6] =	stream.indirect_vreg.gather [hbm4b:s9+s3], $0x80, v3, vm0, $0xb8;
	[tilespmem:$0x1C200] =	vst v63  }
0x95: {  	v3 =	vld [tilespmem:$0xB0];
	_ =	sdelay $0x4  }
0x96: {  	v4 =	vshll.u32 v3, $0x2  }
0x97: {  	v3 =	vand.u32 $0x7, v3;
	v4 =	vand.u32 $0xFFFFFFE0, v4  }
0x98: {  	v3 =	vor.u32 v3, v4  }
0x99: {  	v4 =	vperm.xlane v3, v0;
	_ =	sdelay $0x1  }
0x9a: {  	v4 =	vadd.s32 v1, v4;
	_ =	sdelay $0x1  }
0x9b: {  	v3 =	vperm.xlane v3, v2;
	_ =	sdelay $0x1  }
0x9c: {  	s17 =	simm.s32 $0x12200;
	v3 =	vadd.s32 v1, v3  }
0x9d: {  	[tilespmem:s17], [sflag:$0x6] =	stream.indirect_vreg.gather [hbm4b:s1+s3], $0x80, v4, vm0, $0xb8;
	[tilespmem:$0x1C200] =	vst v63  }
0x9e: {  	s18 =	simm.s32 $0x12A00  }
0x9f: {  	[tilespmem:s18], [sflag:$0x6] =	stream.indirect_vreg.gather [hbm4b:s9+s3], $0x80, v4, vm0, $0xb8;
	[tilespmem:$0x1C200] =	vst v63  }
0xa0: {  	s30 =	simm.s32 $0x13200  }
0xa1: {  	[tilespmem:s30], [sflag:$0x6] =	stream.indirect_vreg.gather [hbm4b:s1+s3], $0x80, v3, vm0, $0xb8;
	[tilespmem:$0x1C200] =	vst v63  }
0xa2: {  	s31 =	simm.s32 $0x13A00  }
0xa3: {  	[tilespmem:s31], [sflag:$0x6] =	stream.indirect_vreg.gather [hbm4b:s9+s3], $0x80, v3, vm0, $0xb8;
	[tilespmem:$0x1C200] =	vst v63  }
0xa4: {  	_ =	swait.ge [sflag:s23], $0x40  }
0xa5: {  	[sflag:s23] =	ssyncset.done $0x0  }
0xa6: {  	[sflag:s23] =	ssyncadd.s32 $0xFFFFFFC0  }
0xa7: {  	v3 =	vld [tilespmem:$0x100];
	_ =	sdelay $0x4  }
0xa8: {  	v4 =	vshll.u32 v3, $0x2  }
0xa9: {  	v3 =	vand.u32 $0x7, v3;
	v4 =	vand.u32 $0xFFFFFFE0, v4  }
0xaa: {  	v3 =	vor.u32 v3, v4  }
0xab: {  	v4 =	vperm.xlane v3, v0;
	_ =	sdelay $0x1  }
0xac: {  	v4 =	vadd.s32 v1, v4;
	_ =	sdelay $0x1  }
0xad: {  	v3 =	vperm.xlane v3, v2;
	_ =	sdelay $0x1  }
0xae: {  	s4 =	simm.s32 $0x14200;
	v3 =	vadd.s32 v1, v3  }
0xaf: {  	[tilespmem:s4], [sflag:$0x7] =	stream.indirect_vreg.gather [hbm4b:s1+s3], $0x80, v4, vm0, $0xb8;
	[tilespmem:$0x1C200] =	vst v63  }
0xb0: {  	s13 =	simm.s32 $0x14A00  }
0xb1: {  	[tilespmem:s13], [sflag:$0x7] =	stream.indirect_vreg.gather [hbm4b:s9+s3], $0x80, v4, vm0, $0xb8;
	[tilespmem:$0x1C200] =	vst v63  }
0xb2: {  	s14 =	simm.s32 $0x15200  }
0xb3: {  	[tilespmem:s14], [sflag:$0x7] =	stream.indirect_vreg.gather [hbm4b:s1+s3], $0x80, v3, vm0, $0xb8;
	[tilespmem:$0x1C200] =	vst v63  }
0xb4: {  	s15 =	simm.s32 $0x15A00  }
0xb5: {  	[tilespmem:s15], [sflag:$0x7] =	stream.indirect_vreg.gather [hbm4b:s9+s3], $0x80, v3, vm0, $0xb8;
	[tilespmem:$0x1C200] =	vst v63  }
0xb6: {  	v3 =	vld [tilespmem:$0x110];
	_ =	sdelay $0x4  }
0xb7: {  	v4 =	vshll.u32 v3, $0x2  }
0xb8: {  	v3 =	vand.u32 $0x7, v3;
	v4 =	vand.u32 $0xFFFFFFE0, v4  }
0xb9: {  	v3 =	vor.u32 v3, v4  }
0xba: {  	v4 =	vperm.xlane v3, v0;
	_ =	sdelay $0x1  }
0xbb: {  	v4 =	vadd.s32 v1, v4;
	_ =	sdelay $0x1  }
0xbc: {  	v3 =	vperm.xlane v3, v2;
	_ =	sdelay $0x1  }
0xbd: {  	s16 =	simm.s32 $0x16200;
	v3 =	vadd.s32 v1, v3  }
0xbe: {  	[tilespmem:s16], [sflag:$0x7] =	stream.indirect_vreg.gather [hbm4b:s1+s3], $0x80, v4, vm0, $0xb8;
	[tilespmem:$0x1C200] =	vst v63  }
0xbf: {  	s17 =	simm.s32 $0x16A00  }
0xc0: {  	[tilespmem:s17], [sflag:$0x7] =	stream.indirect_vreg.gather [hbm4b:s9+s3], $0x80, v4, vm0, $0xb8;
	[tilespmem:$0x1C200] =	vst v63  }
0xc1: {  	s18 =	simm.s32 $0x17200  }
0xc2: {  	[tilespmem:s18], [sflag:$0x7] =	stream.indirect_vreg.gather [hbm4b:s1+s3], $0x80, v3, vm0, $0xb8;
	[tilespmem:$0x1C200] =	vst v63  }
0xc3: {  	s30 =	simm.s32 $0x17A00  }
0xc4: {  	[tilespmem:s30], [sflag:$0x7] =	stream.indirect_vreg.gather [hbm4b:s9+s3], $0x80, v3, vm0, $0xb8;
	[tilespmem:$0x1C200] =	vst v63  }
0xc5: {  	v3 =	vld [tilespmem:$0x120];
	_ =	sdelay $0x4  }
0xc6: {  	v4 =	vshll.u32 v3, $0x2  }
0xc7: {  	v3 =	vand.u32 $0x7, v3;
	v4 =	vand.u32 $0xFFFFFFE0, v4  }
0xc8: {  	v3 =	vor.u32 v3, v4  }
0xc9: {  	v4 =	vperm.xlane v3, v0;
	_ =	sdelay $0x1  }
0xca: {  	v4 =	vadd.s32 v1, v4;
	_ =	sdelay $0x1  }
0xcb: {  	v3 =	vperm.xlane v3, v2;
	_ =	sdelay $0x1  }
0xcc: {  	s31 =	simm.s32 $0x18200;
	v3 =	vadd.s32 v1, v3  }
0xcd: {  	[tilespmem:s31], [sflag:$0x8] =	stream.indirect_vreg.gather [hbm4b:s1+s3], $0x80, v4, vm0, $0xb8;
	[tilespmem:$0x1C200] =	vst v63  }
0xce: {  	s4 =	simm.s32 $0x18A00  }
0xcf: {  	[tilespmem:s4], [sflag:$0x8] =	stream.indirect_vreg.gather [hbm4b:s9+s3], $0x80, v4, vm0, $0xb8;
	[tilespmem:$0x1C200] =	vst v63  }
0xd0: {  	s13 =	simm.s32 $0x19200  }
0xd1: {  	[tilespmem:s13], [sflag:$0x8] =	stream.indirect_vreg.gather [hbm4b:s1+s3], $0x80, v3, vm0, $0xb8;
	[tilespmem:$0x1C200] =	vst v63  }
0xd2: {  	s14 =	simm.s32 $0x19A00  }
0xd3: {  	[tilespmem:s14], [sflag:$0x8] =	stream.indirect_vreg.gather [hbm4b:s9+s3], $0x80, v3, vm0, $0xb8;
	[tilespmem:$0x1C200] =	vst v63  }
0xd4: {  	v3 =	vld [tilespmem:$0x130];
	_ =	sdelay $0x4  }
0xd5: {  	v4 =	vshll.u32 v3, $0x2  }
0xd6: {  	v3 =	vand.u32 $0x7, v3;
	v4 =	vand.u32 $0xFFFFFFE0, v4  }
0xd7: {  	v3 =	vor.u32 v3, v4  }
0xd8: {  	v4 =	vperm.xlane v3, v0;
	_ =	sdelay $0x1  }
0xd9: {  	v4 =	vadd.s32 v1, v4;
	_ =	sdelay $0x1  }
0xda: {  	v3 =	vperm.xlane v3, v2;
	_ =	sdelay $0x1  }
0xdb: {  	s15 =	simm.s32 $0x1A200;
	v3 =	vadd.s32 v1, v3  }
0xdc: {  	[tilespmem:s15], [sflag:$0x8] =	stream.indirect_vreg.gather [hbm4b:s1+s3], $0x80, v4, vm0, $0xb8;
	[tilespmem:$0x1C200] =	vst v63  }
0xdd: {  	s16 =	simm.s32 $0x1AA00  }
0xde: {  	[tilespmem:s16], [sflag:$0x8] =	stream.indirect_vreg.gather [hbm4b:s9+s3], $0x80, v4, vm0, $0xb8;
	[tilespmem:$0x1C200] =	vst v63  }
0xdf: {  	s17 =	simm.s32 $0x1B200  }
0xe0: {  	[tilespmem:s17], [sflag:$0x8] =	stream.indirect_vreg.gather [hbm4b:s1+s3], $0x80, v3, vm0, $0xb8;
	[tilespmem:$0x1C200] =	vst v63  }
0xe1: {  	s18 =	simm.s32 $0x1BA00  }
0xe2: {  	[tilespmem:s18], [sflag:$0x8] =	stream.indirect_vreg.gather [hbm4b:s9+s3], $0x80, v3, vm0, $0xb8;
	[tilespmem:$0x1C200] =	vst v63  }
0xe3: {  	_ =	swait.ge [sflag:s23], $0x40  }
0xe4: {  	[sflag:s23] =	ssyncset.done $0x0  }
0xe5: {  	[sflag:s23] =	ssyncadd.s32 $0xFFFFFFC0  }
0xe6: {  	s13 =	simm.s32 $0x0;
	_ =	swait.ge [sflag:s5], $0x4000  }
0xe7: {  	s13 =	sand.u32 $0xC, s13;
	s14 =	sand.u32 $0x3000, s3;
	[sflag:s5] =	ssyncset.done $0x0  }
0xe8: {  	s31 =	sshll.u32 s13, $0x4;
	s15 =	simm.s32 $0x0;
	[sflag:s5] =	ssyncadd.s32 $0xFFFFC000  }
0xe9: {  	s15 =	sand.u32 $0x380, s15;
	s16 =	sshll.u32 s13, $0x8;
	_ =	swait.ge [sflag:s19], $0x4000  }
0xea: {  	s14 =	sor.u32 s16, s14;
	s17 =	simm.s32 $0x0;
	[sflag:s19] =	ssyncset.done $0x0  }
0xeb: {  	s13 =	sor.u32 s14, s15;
	s30 =	sand.u32 $0x3FFFFF00, s17;
	[sflag:s19] =	ssyncadd.s32 $0xFFFFC000  }
0xec: {  	s17 =	sor.u32 s31, s30;
	v3 =	vld [tilespmem:s13+$0x4270]  }
0xed: {  	v4 =	vld [tilespmem:s17+$0x230]  }
0xee: {  	v5 =	vld [tilespmem:s13+$0x4200]  }
0xef: {  	v6 =	vld [tilespmem:s13+$0x4210]  }
0xf0: {  	v7 =	vld [tilespmem:s13+$0x4220]  }
0xf1: {  	v8 =	vld [tilespmem:s13+$0x4230]  }
0xf2: {  	v9 =	vld [tilespmem:s13+$0x4240]  }
0xf3: {  	v10 =	vld [tilespmem:s13+$0x4250]  }
0xf4: {  	s15 =	simm.s32 $0x4;
	v11 =	vld [tilespmem:s13+$0x4260]  }
0xf5: {  	s16 =	simm.s32 $0x80;
	s18 =	sand.u32 $0xC, s15;
	v12 =	vld [tilespmem:s17+$0x200]  }
0xf6: {  	s0 =	sand.u32 $0x3000, s16;
	s30 =	simm.s32 $0x20;
	s31 =	sshll.u32 s18, $0x8;
	v14 =	vld [tilespmem:s17+$0x210]  }
0xf7: {  	s4 =	simm.s32 $0x40;
	s30 =	sand.u32 $0x380, s30;
	s14 =	sor.u32 s31, s0;
	v15 =	vld [tilespmem:s17+$0x220];
	v13 =	vmul.f32 $2.262741660e+01, v3  }
0xf8: {  	s18 =	sshll.u32 s18, $0x4;
	s31 =	sand.u32 $0x3FFFFF00, s4;
	s14 =	sor.u32 s14, s30;
	v3 =	vshll.u32 v4, $0x10;
	v16 =	vmul.f32 $2.262741660e+01, v5;
	v6 =	vmul.f32 $2.262741660e+01, v6  }
0xf9: {  	s17 =	sor.u32 s18, s31;
	v18 =	vld [tilespmem:s14+$0x4270];
	v4 =	vand.u32 $0xFFFF0000, v4;
	v7 =	vmul.f32 $2.262741660e+01, v7;
	v17 =	vmul.f32 $2.262741660e+01, v8  }
0xfa: {  	v20 =	vld [tilespmem:s17+$0x230];
	v19 =	vmul.f32 $2.262741660e+01, v9;
	v5 =	vmul.f32 $2.262741660e+01, v10;
	v10 =	vshll.u32 v12, $0x10  }
0xfb: {  	v12 =	vand.u32 $0xFFFF0000, v12;
	v8 =	vadd.f32 v4, v13;
	v4 =	vmul.f32 $2.262741660e+01, v11;
	v11 =	vld [tilespmem:s14+$0x4200]  }
0xfc: {  	v9 =	vld [tilespmem:s14+$0x4210];
	v21 =	vshll.u32 v15, $0x10;
	v10 =	vadd.f32 v10, v16;
	v16 =	vshll.u32 v14, $0x10  }
0xfd: {  	v14 =	vand.u32 $0xFFFF0000, v14;
	v12 =	vadd.f32 v12, v6;
	v13 =	vand.u32 $0xFFFF0000, v15;
	[tilespmem:s13+$0x4270] =	vst v8;
	v8 =	vld [tilespmem:s14+$0x4220]  }
0xfe: {  	v6 =	vld [tilespmem:s14+$0x4230];
	v15 =	vmul.f32 $2.262741660e+01, v18;
	v16 =	vadd.f32 v16, v7;
	v14 =	vadd.f32 v14, v17;
	[tilespmem:s13+$0x4200] =	vst v10  }
0xff: {  	v7 =	vld [tilespmem:s14+$0x4240];
	v17 =	vand.u32 $0xFFFF0000, v20;
	v10 =	vshll.u32 v20, $0x10;
	[tilespmem:s13+$0x4210] =	vst v12;
	v12 =	vadd.f32 v21, v19  }
.LBB2_2:
0x100: {  	s15 =	sadd.s32 $0x4, s15;
	v18 =	vmul.f32 $2.262741660e+01, v11;
	v11 =	vld [tilespmem:s14+$0x4250];
	v15 =	vadd.f32 v17, v15;
	[tilespmem:s13+$0x4220] =	vst v16;
	v5 =	vadd.f32 v13, v5  }
0x101: {  	s16 =	sadd.s32 $0x80, s16;
	v4 =	vadd.f32 v3, v4;
	v3 =	vmov v10;
	s18 =	sand.u32 $0xC, s15;
	p0 =	slt.u32 s15, $0x1FC;
	v13 =	vmul.f32 $2.262741660e+01, v9;
	v9 =	vld [tilespmem:s14+$0x4260];
	[tilespmem:s13+$0x4230] =	vst v14  }
0x102: {  	s30 =	sand.u32 $0x3000, s16;
	s31 =	sshll.u32 s15, $0x3;
	s0 =	sshll.u32 s18, $0x8;
	v10 =	vld [tilespmem:s17+$0x200];
	v14 =	vmul.f32 $2.262741660e+01, v8;
	[tilespmem:s14+$0x4270] =	vst v15  }
0x103: {  	s4 =	sshll.u32 s15, $0x4;
	s31 =	sand.u32 $0x380, s31;
	s0 =	sor.u32 s0, s30;
	v8 =	vld [tilespmem:s17+$0x210];
	v17 =	vmul.f32 $2.262741660e+01, v6;
	[tilespmem:s13+$0x4240] =	vst v12  }
0x104: {  	s4 =	sand.u32 $0x3FFFFF00, s4;
	s18 =	sshll.u32 s18, $0x4;
	s0 =	sor.u32 s0, s31;
	v6 =	vld [tilespmem:s17+$0x220];
	v12 =	vmul.f32 $2.262741660e+01, v7;
	[tilespmem:s13+$0x4250] =	vst v5  }
0x105: {  	s17 =	sor.u32 s18, s4;
	v7 =	vld [tilespmem:s0+$0x4270];
	v5 =	vmul.f32 $2.262741660e+01, v11;
	[tilespmem:s13+$0x4260] =	vst v4;
	s13 =	smov.u32 s14;
	s14 =	smov.u32 s0  }
0x106: {  	v19 =	vld [tilespmem:s17+$0x230];
	v4 =	vmul.f32 $2.262741660e+01, v9  }
.Ltmp0:
0x107: {  	v11 =	vld [tilespmem:s14+$0x4200];
	v15 =	vshll.u32 v10, $0x10;
	v10 =	vand.u32 $0xFFFF0000, v10;
	(pc) =	sbr.rel @p0 .LBB2_2-.Ltmp0, $4  }
0x108: {  	v9 =	vld [tilespmem:s14+$0x4210];
	v16 =	vadd.f32 v15, v18;
	v18 =	vshll.u32 v8, $0x10;
	v20 =	vand.u32 $0xFFFF0000, v8  }
0x109: {  	v21 =	vadd.f32 v10, v13;
	v8 =	vld [tilespmem:s14+$0x4220];
	v22 =	vshll.u32 v6, $0x10;
	v13 =	vand.u32 $0xFFFF0000, v6  }
0x10a: {  	v6 =	vld [tilespmem:s14+$0x4230];
	v15 =	vmul.f32 $2.262741660e+01, v7;
	[tilespmem:s13+$0x4200] =	vst v16;
	v16 =	vadd.f32 v18, v14;
	v14 =	vadd.f32 v20, v17  }
0x10b: {  	v12 =	vadd.f32 v22, v12;
	v7 =	vld [tilespmem:s14+$0x4240];
	v10 =	vshll.u32 v19, $0x10;
	v17 =	vand.u32 $0xFFFF0000, v19;
	[tilespmem:s13+$0x4210] =	vst v21  }
0x10c: {  	v18 =	vld [tilespmem:s17+$0x200];
	_ =	sdelay $0x1  }
0x10d: {  	[tilespmem:s13+$0x4220] =	vst v16;
	v16 =	vld [tilespmem:s17+$0x210]  }
0x10e: {  	v19 =	vld [tilespmem:s14+$0x4250];
	v15 =	vadd.f32 v17, v15;
	[tilespmem:s13+$0x4230] =	vst v14  }
0x10f: {  	v11 =	vmul.f32 $2.262741660e+01, v11;
	v5 =	vadd.f32 v13, v5;
	v13 =	vld [tilespmem:s17+$0x220];
	[tilespmem:s13+$0x4240] =	vst v12  }
0x110: {  	v17 =	vld [tilespmem:s14+$0x4260];
	v3 =	vadd.f32 v3, v4;
	v9 =	vmul.f32 $2.262741660e+01, v9;
	[tilespmem:s14+$0x4270] =	vst v15;
	v4 =	vshll.u32 v18, $0x10  }
0x111: {  	v8 =	vmul.f32 $2.262741660e+01, v8;
	[tilespmem:s13+$0x4250] =	vst v5;
	v5 =	vand.u32 $0xFFFF0000, v18;
	v4 =	vadd.f32 v4, v11  }
0x112: {  	[tilespmem:s13+$0x4260] =	vst v3;
	v6 =	vmul.f32 $2.262741660e+01, v6;
	v3 =	vshll.u32 v16, $0x10;
	v5 =	vadd.f32 v5, v9  }
0x113: {  	v7 =	vmul.f32 $2.262741660e+01, v7;
	v9 =	vand.u32 $0xFFFF0000, v16;
	v3 =	vadd.f32 v3, v8;
	[tilespmem:s14+$0x4200] =	vst v4  }
0x114: {  	v8 =	vshll.u32 v13, $0x10;
	v6 =	vadd.f32 v9, v6;
	v4 =	vmul.f32 $2.262741660e+01, v19;
	[tilespmem:s14+$0x4210] =	vst v5  }
0x115: {  	v9 =	vand.u32 $0xFFFF0000, v13;
	v7 =	vadd.f32 v8, v7;
	v5 =	vmul.f32 $2.262741660e+01, v17;
	[tilespmem:s14+$0x4220] =	vst v3  }
0x116: {  	[tilespmem:s14+$0x4230] =	vst v6;
	v3 =	vadd.f32 v9, v4  }
0x117: {  	[tilespmem:s14+$0x4240] =	vst v7;
	v4 =	vadd.f32 v10, v5  }
0x118: {  	[tilespmem:s14+$0x4250] =	vst v3  }
0x119: {  	s0 =	simm.s32 $0x0;
	[tilespmem:s14+$0x4260] =	vst v4  }
0x11a: {  	[hbm4b:s10+s0] =	stream.linear.scatter [tilespmem:s24], [sflag:$0x9], $0x4000, $0x38;
	[tilespmem:$0x1C200] =	vst v63  }
0x11b: {  	_ =	swait.ge [sflag:s20], $0x4000  }
0x11c: {  	[sflag:s20] =	ssyncset.done $0x0  }
0x11d: {  	[sflag:s20] =	ssyncadd.s32 $0xFFFFC000  }
0x11e: {  	v3 =	vld [tilespmem:$0x180];
	_ =	sdelay $0x4  }
0x11f: {  	v4 =	vshll.u32 v3, $0x2  }
0x120: {  	v3 =	vand.u32 $0x7, v3;
	v4 =	vand.u32 $0xFFFFFFE0, v4  }
0x121: {  	v3 =	vor.u32 v3, v4  }
0x122: {  	v4 =	vperm.xlane v3, v0;
	_ =	sdelay $0x1  }
0x123: {  	v4 =	vadd.s32 v1, v4;
	_ =	sdelay $0x1  }
0x124: {  	v3 =	vperm.xlane v3, v2;
	_ =	sdelay $0x1  }
0x125: {  	v3 =	vadd.s32 v1, v3  }
0x126: {  	[tilespmem:s24], [sflag:$0x3] =	stream.indirect_vreg.gather [hbm4b:s1+s0], $0x80, v4, vm0, $0xb8;
	[tilespmem:$0x1C200] =	vst v63  }
0x127: {  	s4 =	simm.s32 $0x4A00  }
0x128: {  	[tilespmem:s4], [sflag:$0x3] =	stream.indirect_vreg.gather [hbm4b:s9+s0], $0x80, v4, vm0, $0xb8;
	[tilespmem:$0x1C200] =	vst v63  }
0x129: {  	s18 =	simm.s32 $0x5200  }
0x12a: {  	[tilespmem:s18], [sflag:$0x3] =	stream.indirect_vreg.gather [hbm4b:s1+s0], $0x80, v3, vm0, $0xb8;
	[tilespmem:$0x1C200] =	vst v63  }
0x12b: {  	s30 =	simm.s32 $0x5A00  }
0x12c: {  	[tilespmem:s30], [sflag:$0x3] =	stream.indirect_vreg.gather [hbm4b:s9+s0], $0x80, v3, vm0, $0xb8;
	[tilespmem:$0x1C200] =	vst v63  }
0x12d: {  	v3 =	vld [tilespmem:$0x190];
	_ =	sdelay $0x4  }
0x12e: {  	v4 =	vshll.u32 v3, $0x2  }
0x12f: {  	v3 =	vand.u32 $0x7, v3;
	v4 =	vand.u32 $0xFFFFFFE0, v4  }
0x130: {  	v3 =	vor.u32 v3, v4  }
0x131: {  	v4 =	vperm.xlane v3, v0;
	_ =	sdelay $0x1  }
0x132: {  	v4 =	vadd.s32 v1, v4;
	_ =	sdelay $0x1  }
0x133: {  	v3 =	vperm.xlane v3, v2;
	_ =	sdelay $0x1  }
0x134: {  	s31 =	simm.s32 $0x6200;
	v3 =	vadd.s32 v1, v3  }
0x135: {  	[tilespmem:s31], [sflag:$0x3] =	stream.indirect_vreg.gather [hbm4b:s1+s0], $0x80, v4, vm0, $0xb8;
	[tilespmem:$0x1C200] =	vst v63  }
0x136: {  	s16 =	simm.s32 $0x0;
	s13 =	simm.s32 $0x6A00  }
0x137: {  	[tilespmem:s13], [sflag:$0x3] =	stream.indirect_vreg.gather [hbm4b:s9+s0], $0x80, v4, vm0, $0xb8;
	[tilespmem:$0x1C200] =	vst v63  }
0x138: {  	s15 =	simm.s32 $0x7A00;
	s14 =	simm.s32 $0x7200;
	s4 =	sand.u32 $0xC, s16  }
0x139: {  	[tilespmem:s14], [sflag:$0x3] =	stream.indirect_vreg.gather [hbm4b:s1+s0], $0x80, v3, vm0, $0xb8;
	[tilespmem:$0x1C200] =	vst v63  }
0x13a: {  	s17 =	simm.s32 $0x0;
	s18 =	sshll.u32 s4, $0x8;
	s4 =	sshll.u32 s4, $0x4  }
0x13b: {  	[tilespmem:s15], [sflag:$0x3] =	stream.indirect_vreg.gather [hbm4b:s9+s0], $0x80, v3, vm0, $0xb8;
	[tilespmem:$0x1C200] =	vst v63  }
0x13c: {  	s13 =	sand.u32 $0x380, s17;
	s0 =	sand.u32 $0x3000, s0;
	_ =	swait.ge [sflag:s6], $0x4000  }
0x13d: {  	s15 =	simm.s32 $0x0;
	s0 =	sor.u32 s18, s0;
	[sflag:s6] =	ssyncset.done $0x0  }
0x13e: {  	s30 =	sand.u32 $0x3FFFFF00, s15;
	s13 =	sor.u32 s0, s13;
	[sflag:s6] =	ssyncadd.s32 $0xFFFFC000  }
0x13f: {  	s0 =	sor.u32 s4, s30;
	v3 =	vld [tilespmem:s13+$0x8270]  }
0x140: {  	v4 =	vld [tilespmem:s0+$0x2230]  }
0x141: {  	v5 =	vld [tilespmem:s13+$0x8200]  }
0x142: {  	v6 =	vld [tilespmem:s13+$0x8210]  }
0x143: {  	v7 =	vld [tilespmem:s13+$0x8220]  }
0x144: {  	v8 =	vld [tilespmem:s13+$0x8230]  }
0x145: {  	v9 =	vld [tilespmem:s13+$0x8240]  }
0x146: {  	s15 =	simm.s32 $0x4;
	v10 =	vld [tilespmem:s13+$0x8250]  }
0x147: {  	s16 =	simm.s32 $0x80;
	s4 =	sand.u32 $0xC, s15;
	v12 =	vld [tilespmem:s0+$0x2200]  }
0x148: {  	s31 =	simm.s32 $0x20;
	s14 =	sand.u32 $0x3000, s16;
	s18 =	sshll.u32 s4, $0x8;
	v11 =	vld [tilespmem:s13+$0x8260]  }
0x149: {  	s17 =	sand.u32 $0x380, s31;
	s30 =	simm.s32 $0x40;
	s14 =	sor.u32 s18, s14;
	v14 =	vld [tilespmem:s0+$0x2210];
	v13 =	vmul.f32 $2.262741660e+01, v3  }
0x14a: {  	s31 =	sand.u32 $0x3FFFFF00, s30;
	s4 =	sshll.u32 s4, $0x4;
	v16 =	vld [tilespmem:s0+$0x2220];
	s14 =	sor.u32 s14, s17;
	v3 =	vshll.u32 v4, $0x10;
	v15 =	vmul.f32 $2.262741660e+01, v5;
	v6 =	vmul.f32 $2.262741660e+01, v6  }
0x14b: {  	s17 =	sor.u32 s4, s31;
	v18 =	vld [tilespmem:s14+$0x8270];
	v4 =	vand.u32 $0xFFFF0000, v4;
	v7 =	vmul.f32 $2.262741660e+01, v7;
	v17 =	vmul.f32 $2.262741660e+01, v8  }
0x14c: {  	v20 =	vld [tilespmem:s17+$0x2230];
	v19 =	vmul.f32 $2.262741660e+01, v9;
	v5 =	vmul.f32 $2.262741660e+01, v10;
	v10 =	vshll.u32 v12, $0x10  }
0x14d: {  	v12 =	vand.u32 $0xFFFF0000, v12;
	v8 =	vadd.f32 v4, v13;
	v4 =	vmul.f32 $2.262741660e+01, v11;
	v11 =	vld [tilespmem:s14+$0x8200]  }
0x14e: {  	v9 =	vld [tilespmem:s14+$0x8210];
	v21 =	vshll.u32 v14, $0x10;
	v14 =	vand.u32 $0xFFFF0000, v14;
	v10 =	vadd.f32 v10, v15  }
0x14f: {  	v22 =	vshll.u32 v16, $0x10;
	v12 =	vadd.f32 v12, v6;
	v13 =	vand.u32 $0xFFFF0000, v16;
	[tilespmem:s13+$0x8270] =	vst v8;
	v8 =	vld [tilespmem:s14+$0x8220]  }
0x150: {  	v6 =	vld [tilespmem:s14+$0x8230];
	v15 =	vmul.f32 $2.262741660e+01, v18;
	v16 =	vadd.f32 v21, v7;
	v14 =	vadd.f32 v14, v17;
	[tilespmem:s13+$0x8200] =	vst v10  }
0x151: {  	v7 =	vld [tilespmem:s14+$0x8240];
	v17 =	vand.u32 $0xFFFF0000, v20;
	v10 =	vshll.u32 v20, $0x10;
	[tilespmem:s13+$0x8210] =	vst v12;
	v12 =	vadd.f32 v22, v19  }
.LBB2_4:
0x152: {  	s15 =	sadd.s32 $0x4, s15;
	v18 =	vmul.f32 $2.262741660e+01, v11;
	v11 =	vld [tilespmem:s14+$0x8250];
	v15 =	vadd.f32 v17, v15;
	[tilespmem:s13+$0x8220] =	vst v16;
	v5 =	vadd.f32 v13, v5  }
0x153: {  	s16 =	sadd.s32 $0x80, s16;
	v4 =	vadd.f32 v3, v4;
	v3 =	vmov v10;
	s0 =	sand.u32 $0xC, s15;
	p0 =	slt.u32 s15, $0x1FC;
	v13 =	vmul.f32 $2.262741660e+01, v9;
	v9 =	vld [tilespmem:s14+$0x8260];
	[tilespmem:s13+$0x8230] =	vst v14  }
0x154: {  	s4 =	sand.u32 $0x3000, s16;
	s18 =	sshll.u32 s15, $0x3;
	s30 =	sshll.u32 s0, $0x8;
	v10 =	vld [tilespmem:s17+$0x2200];
	v14 =	vmul.f32 $2.262741660e+01, v8;
	[tilespmem:s14+$0x8270] =	vst v15  }
0x155: {  	s31 =	sshll.u32 s15, $0x4;
	s18 =	sand.u32 $0x380, s18;
	s4 =	sor.u32 s30, s4;
	v8 =	vld [tilespmem:s17+$0x2210];
	v17 =	vmul.f32 $2.262741660e+01, v6;
	[tilespmem:s13+$0x8240] =	vst v12  }
0x156: {  	s0 =	sshll.u32 s0, $0x4;
	s30 =	sand.u32 $0x3FFFFF00, s31;
	s4 =	sor.u32 s4, s18;
	v6 =	vld [tilespmem:s17+$0x2220];
	v12 =	vmul.f32 $2.262741660e+01, v7;
	[tilespmem:s13+$0x8250] =	vst v5  }
0x157: {  	s17 =	sor.u32 s0, s30;
	v7 =	vld [tilespmem:s4+$0x8270];
	v5 =	vmul.f32 $2.262741660e+01, v11;
	[tilespmem:s13+$0x8260] =	vst v4;
	s13 =	smov.u32 s14;
	s14 =	smov.u32 s4  }
0x158: {  	v19 =	vld [tilespmem:s17+$0x2230];
	v4 =	vmul.f32 $2.262741660e+01, v9  }
.Ltmp1:
0x159: {  	v11 =	vld [tilespmem:s14+$0x8200];
	v15 =	vshll.u32 v10, $0x10;
	v10 =	vand.u32 $0xFFFF0000, v10;
	(pc) =	sbr.rel @p0 .LBB2_4-.Ltmp1, $4  }
0x15a: {  	v9 =	vld [tilespmem:s14+$0x8210];
	v16 =	vadd.f32 v15, v18;
	v18 =	vshll.u32 v8, $0x10;
	v20 =	vand.u32 $0xFFFF0000, v8  }
0x15b: {  	v21 =	vadd.f32 v10, v13;
	v8 =	vld [tilespmem:s14+$0x8220];
	v22 =	vshll.u32 v6, $0x10;
	v13 =	vand.u32 $0xFFFF0000, v6  }
0x15c: {  	v6 =	vld [tilespmem:s14+$0x8230];
	v15 =	vmul.f32 $2.262741660e+01, v7;
	[tilespmem:s13+$0x8200] =	vst v16;
	v16 =	vadd.f32 v18, v14;
	v14 =	vadd.f32 v20, v17  }
0x15d: {  	v12 =	vadd.f32 v22, v12;
	v7 =	vld [tilespmem:s14+$0x8240];
	v10 =	vshll.u32 v19, $0x10;
	v17 =	vand.u32 $0xFFFF0000, v19;
	[tilespmem:s13+$0x8210] =	vst v21  }
0x15e: {  	v18 =	vld [tilespmem:s17+$0x2200];
	_ =	sdelay $0x1  }
0x15f: {  	[tilespmem:s13+$0x8220] =	vst v16;
	v16 =	vld [tilespmem:s17+$0x2210]  }
0x160: {  	v19 =	vld [tilespmem:s14+$0x8250];
	v15 =	vadd.f32 v17, v15;
	[tilespmem:s13+$0x8230] =	vst v14  }
0x161: {  	v11 =	vmul.f32 $2.262741660e+01, v11;
	v5 =	vadd.f32 v13, v5;
	v13 =	vld [tilespmem:s17+$0x2220];
	[tilespmem:s13+$0x8240] =	vst v12  }
0x162: {  	v17 =	vld [tilespmem:s14+$0x8260];
	v3 =	vadd.f32 v3, v4;
	v9 =	vmul.f32 $2.262741660e+01, v9;
	[tilespmem:s14+$0x8270] =	vst v15;
	v4 =	vshll.u32 v18, $0x10  }
0x163: {  	v8 =	vmul.f32 $2.262741660e+01, v8;
	[tilespmem:s13+$0x8250] =	vst v5;
	v5 =	vand.u32 $0xFFFF0000, v18;
	v4 =	vadd.f32 v4, v11  }
0x164: {  	[tilespmem:s13+$0x8260] =	vst v3;
	v6 =	vmul.f32 $2.262741660e+01, v6;
	v3 =	vshll.u32 v16, $0x10;
	v5 =	vadd.f32 v5, v9  }
0x165: {  	v7 =	vmul.f32 $2.262741660e+01, v7;
	v9 =	vand.u32 $0xFFFF0000, v16;
	v3 =	vadd.f32 v3, v8;
	[tilespmem:s14+$0x8200] =	vst v4  }
0x166: {  	v8 =	vshll.u32 v13, $0x10;
	v6 =	vadd.f32 v9, v6;
	v4 =	vmul.f32 $2.262741660e+01, v19;
	[tilespmem:s14+$0x8210] =	vst v5  }
0x167: {  	v9 =	vand.u32 $0xFFFF0000, v13;
	v7 =	vadd.f32 v8, v7;
	v5 =	vmul.f32 $2.262741660e+01, v17;
	[tilespmem:s14+$0x8220] =	vst v3  }
0x168: {  	[tilespmem:s14+$0x8230] =	vst v6;
	v3 =	vadd.f32 v9, v4  }
0x169: {  	[tilespmem:s14+$0x8240] =	vst v7;
	v4 =	vadd.f32 v10, v5  }
0x16a: {  	[tilespmem:s14+$0x8250] =	vst v3  }
0x16b: {  	[tilespmem:s14+$0x8260] =	vst v4  }
0x16c: {  	s0 =	simm.s32 $0x0;
	s4 =	rddreg [dreg:$0xa]  }
0x16d: {  	[hbm4b:s4+s0] =	stream.linear.scatter [tilespmem:s2], [sflag:$0xA], $0x4000, $0x38;
	[tilespmem:$0x1C200] =	vst v63  }
0x16e: {  	_ =	swait.ge [sflag:s21], $0x4000  }
0x16f: {  	[sflag:s21] =	ssyncset.done $0x0  }
0x170: {  	[sflag:s21] =	ssyncadd.s32 $0xFFFFC000  }
0x171: {  	v3 =	vld [tilespmem:$0x1A0];
	_ =	sdelay $0x4  }
0x172: {  	v4 =	vshll.u32 v3, $0x2  }
0x173: {  	v3 =	vand.u32 $0x7, v3;
	v4 =	vand.u32 $0xFFFFFFE0, v4  }
0x174: {  	v3 =	vor.u32 v3, v4  }
0x175: {  	v4 =	vperm.xlane v3, v0;
	_ =	sdelay $0x1  }
0x176: {  	v4 =	vadd.s32 v1, v4;
	_ =	sdelay $0x1  }
0x177: {  	v3 =	vperm.xlane v3, v2;
	_ =	sdelay $0x1  }
0x178: {  	v3 =	vadd.s32 v1, v3  }
0x179: {  	[tilespmem:s2], [sflag:$0x4] =	stream.indirect_vreg.gather [hbm4b:s1+s0], $0x80, v4, vm0, $0xb8;
	[tilespmem:$0x1C200] =	vst v63  }
0x17a: {  	s17 =	simm.s32 $0x8A00  }
0x17b: {  	[tilespmem:s17], [sflag:$0x4] =	stream.indirect_vreg.gather [hbm4b:s9+s0], $0x80, v4, vm0, $0xb8;
	[tilespmem:$0x1C200] =	vst v63  }
0x17c: {  	s18 =	simm.s32 $0x9200  }
0x17d: {  	[tilespmem:s18], [sflag:$0x4] =	stream.indirect_vreg.gather [hbm4b:s1+s0], $0x80, v3, vm0, $0xb8;
	[tilespmem:$0x1C200] =	vst v63  }
0x17e: {  	s30 =	simm.s32 $0x9A00  }
0x17f: {  	[tilespmem:s30], [sflag:$0x4] =	stream.indirect_vreg.gather [hbm4b:s9+s0], $0x80, v3, vm0, $0xb8;
	[tilespmem:$0x1C200] =	vst v63  }
0x180: {  	v3 =	vld [tilespmem:$0x1B0];
	_ =	sdelay $0x4  }
0x181: {  	v4 =	vshll.u32 v3, $0x2  }
0x182: {  	v3 =	vand.u32 $0x7, v3;
	v4 =	vand.u32 $0xFFFFFFE0, v4  }
0x183: {  	v3 =	vor.u32 v3, v4  }
0x184: {  	v4 =	vperm.xlane v3, v0;
	_ =	sdelay $0x1  }
0x185: {  	v4 =	vadd.s32 v1, v4;
	_ =	sdelay $0x1  }
0x186: {  	v3 =	vperm.xlane v3, v2;
	_ =	sdelay $0x1  }
0x187: {  	s31 =	simm.s32 $0xA200;
	v3 =	vadd.s32 v1, v3  }
0x188: {  	[tilespmem:s31], [sflag:$0x4] =	stream.indirect_vreg.gather [hbm4b:s1+s0], $0x80, v4, vm0, $0xb8;
	[tilespmem:$0x1C200] =	vst v63  }
0x189: {  	s16 =	simm.s32 $0x0;
	s13 =	simm.s32 $0xAA00  }
0x18a: {  	[tilespmem:s13], [sflag:$0x4] =	stream.indirect_vreg.gather [hbm4b:s9+s0], $0x80, v4, vm0, $0xb8;
	[tilespmem:$0x1C200] =	vst v63  }
0x18b: {  	s15 =	simm.s32 $0xBA00;
	s14 =	simm.s32 $0xB200;
	s4 =	sand.u32 $0xC, s16  }
0x18c: {  	[tilespmem:s14], [sflag:$0x4] =	stream.indirect_vreg.gather [hbm4b:s1+s0], $0x80, v3, vm0, $0xb8;
	[tilespmem:$0x1C200] =	vst v63  }
0x18d: {  	s17 =	simm.s32 $0x0;
	s18 =	sshll.u32 s4, $0x8;
	s4 =	sshll.u32 s4, $0x4  }
0x18e: {  	[tilespmem:s15], [sflag:$0x4] =	stream.indirect_vreg.gather [hbm4b:s9+s0], $0x80, v3, vm0, $0xb8;
	[tilespmem:$0x1C200] =	vst v63  }
0x18f: {  	s13 =	sand.u32 $0x380, s17;
	s0 =	sand.u32 $0x3000, s0;
	_ =	swait.ge [sflag:s7], $0x4000  }
0x190: {  	s15 =	simm.s32 $0x0;
	s0 =	sor.u32 s18, s0;
	[sflag:s7] =	ssyncset.done $0x0  }
0x191: {  	s30 =	sand.u32 $0x3FFFFF00, s15;
	s13 =	sor.u32 s0, s13;
	[sflag:s7] =	ssyncadd.s32 $0xFFFFC000  }
0x192: {  	s0 =	sor.u32 s4, s30;
	v3 =	vld [tilespmem:s13+$0xC270]  }
0x193: {  	v4 =	vld [tilespmem:s0+$0x230]  }
0x194: {  	v5 =	vld [tilespmem:s13+$0xC200]  }
0x195: {  	v6 =	vld [tilespmem:s13+$0xC210]  }
0x196: {  	v7 =	vld [tilespmem:s13+$0xC220]  }
0x197: {  	v8 =	vld [tilespmem:s13+$0xC230]  }
0x198: {  	v9 =	vld [tilespmem:s13+$0xC240]  }
0x199: {  	s15 =	simm.s32 $0x4;
	v10 =	vld [tilespmem:s13+$0xC250]  }
0x19a: {  	s16 =	simm.s32 $0x80;
	s4 =	sand.u32 $0xC, s15;
	v12 =	vld [tilespmem:s0+$0x200]  }
0x19b: {  	s31 =	simm.s32 $0x20;
	s14 =	sand.u32 $0x3000, s16;
	s18 =	sshll.u32 s4, $0x8;
	v11 =	vld [tilespmem:s13+$0xC260]  }
0x19c: {  	s17 =	sand.u32 $0x380, s31;
	s30 =	simm.s32 $0x40;
	s14 =	sor.u32 s18, s14;
	v14 =	vld [tilespmem:s0+$0x210];
	v13 =	vmul.f32 $2.262741660e+01, v3  }
0x19d: {  	s31 =	sand.u32 $0x3FFFFF00, s30;
	s4 =	sshll.u32 s4, $0x4;
	v16 =	vld [tilespmem:s0+$0x220];
	s14 =	sor.u32 s14, s17;
	v3 =	vshll.u32 v4, $0x10;
	v15 =	vmul.f32 $2.262741660e+01, v5;
	v6 =	vmul.f32 $2.262741660e+01, v6  }
0x19e: {  	s17 =	sor.u32 s4, s31;
	v18 =	vld [tilespmem:s14+$0xC270];
	v4 =	vand.u32 $0xFFFF0000, v4;
	v7 =	vmul.f32 $2.262741660e+01, v7;
	v17 =	vmul.f32 $2.262741660e+01, v8  }
0x19f: {  	v20 =	vld [tilespmem:s17+$0x230];
	v19 =	vmul.f32 $2.262741660e+01, v9;
	v5 =	vmul.f32 $2.262741660e+01, v10;
	v10 =	vshll.u32 v12, $0x10  }
0x1a0: {  	v12 =	vand.u32 $0xFFFF0000, v12;
	v8 =	vadd.f32 v4, v13;
	v4 =	vmul.f32 $2.262741660e+01, v11;
	v11 =	vld [tilespmem:s14+$0xC200]  }
0x1a1: {  	v9 =	vld [tilespmem:s14+$0xC210];
	v21 =	vshll.u32 v14, $0x10;
	v14 =	vand.u32 $0xFFFF0000, v14;
	v10 =	vadd.f32 v10, v15  }
0x1a2: {  	v22 =	vshll.u32 v16, $0x10;
	v12 =	vadd.f32 v12, v6;
	v13 =	vand.u32 $0xFFFF0000, v16;
	[tilespmem:s13+$0xC270] =	vst v8;
	v8 =	vld [tilespmem:s14+$0xC220]  }
0x1a3: {  	v6 =	vld [tilespmem:s14+$0xC230];
	v15 =	vmul.f32 $2.262741660e+01, v18;
	v16 =	vadd.f32 v21, v7;
	v14 =	vadd.f32 v14, v17;
	[tilespmem:s13+$0xC200] =	vst v10  }
0x1a4: {  	v7 =	vld [tilespmem:s14+$0xC240];
	v17 =	vand.u32 $0xFFFF0000, v20;
	v10 =	vshll.u32 v20, $0x10;
	[tilespmem:s13+$0xC210] =	vst v12;
	v12 =	vadd.f32 v22, v19  }
.LBB2_6:
0x1a5: {  	s15 =	sadd.s32 $0x4, s15;
	v18 =	vmul.f32 $2.262741660e+01, v11;
	v11 =	vld [tilespmem:s14+$0xC250];
	v15 =	vadd.f32 v17, v15;
	[tilespmem:s13+$0xC220] =	vst v16;
	v5 =	vadd.f32 v13, v5  }
0x1a6: {  	s16 =	sadd.s32 $0x80, s16;
	v4 =	vadd.f32 v3, v4;
	v3 =	vmov v10;
	s0 =	sand.u32 $0xC, s15;
	p0 =	slt.u32 s15, $0x1FC;
	v13 =	vmul.f32 $2.262741660e+01, v9;
	v9 =	vld [tilespmem:s14+$0xC260];
	[tilespmem:s13+$0xC230] =	vst v14  }
0x1a7: {  	s4 =	sand.u32 $0x3000, s16;
	s18 =	sshll.u32 s15, $0x3;
	s30 =	sshll.u32 s0, $0x8;
	v10 =	vld [tilespmem:s17+$0x200];
	v14 =	vmul.f32 $2.262741660e+01, v8;
	[tilespmem:s14+$0xC270] =	vst v15  }
0x1a8: {  	s31 =	sshll.u32 s15, $0x4;
	s18 =	sand.u32 $0x380, s18;
	s4 =	sor.u32 s30, s4;
	v8 =	vld [tilespmem:s17+$0x210];
	v17 =	vmul.f32 $2.262741660e+01, v6;
	[tilespmem:s13+$0xC240] =	vst v12  }
0x1a9: {  	s0 =	sshll.u32 s0, $0x4;
	s30 =	sand.u32 $0x3FFFFF00, s31;
	s4 =	sor.u32 s4, s18;
	v6 =	vld [tilespmem:s17+$0x220];
	v12 =	vmul.f32 $2.262741660e+01, v7;
	[tilespmem:s13+$0xC250] =	vst v5  }
0x1aa: {  	s17 =	sor.u32 s0, s30;
	v7 =	vld [tilespmem:s4+$0xC270];
	v5 =	vmul.f32 $2.262741660e+01, v11;
	[tilespmem:s13+$0xC260] =	vst v4;
	s13 =	smov.u32 s14;
	s14 =	smov.u32 s4  }
0x1ab: {  	v19 =	vld [tilespmem:s17+$0x230];
	v4 =	vmul.f32 $2.262741660e+01, v9  }
.Ltmp2:
0x1ac: {  	v11 =	vld [tilespmem:s14+$0xC200];
	v15 =	vshll.u32 v10, $0x10;
	v10 =	vand.u32 $0xFFFF0000, v10;
	(pc) =	sbr.rel @p0 .LBB2_6-.Ltmp2, $4  }
0x1ad: {  	v9 =	vld [tilespmem:s14+$0xC210];
	v16 =	vadd.f32 v15, v18;
	v18 =	vshll.u32 v8, $0x10;
	v20 =	vand.u32 $0xFFFF0000, v8  }
0x1ae: {  	v21 =	vadd.f32 v10, v13;
	v8 =	vld [tilespmem:s14+$0xC220];
	v22 =	vshll.u32 v6, $0x10;
	v13 =	vand.u32 $0xFFFF0000, v6  }
0x1af: {  	v6 =	vld [tilespmem:s14+$0xC230];
	v15 =	vmul.f32 $2.262741660e+01, v7;
	[tilespmem:s13+$0xC200] =	vst v16;
	v16 =	vadd.f32 v18, v14;
	v14 =	vadd.f32 v20, v17  }
0x1b0: {  	v12 =	vadd.f32 v22, v12;
	v7 =	vld [tilespmem:s14+$0xC240];
	v10 =	vshll.u32 v19, $0x10;
	v17 =	vand.u32 $0xFFFF0000, v19;
	[tilespmem:s13+$0xC210] =	vst v21  }
0x1b1: {  	v18 =	vld [tilespmem:s17+$0x200];
	_ =	sdelay $0x1  }
0x1b2: {  	[tilespmem:s13+$0xC220] =	vst v16;
	v16 =	vld [tilespmem:s17+$0x210]  }
0x1b3: {  	v19 =	vld [tilespmem:s14+$0xC250];
	v15 =	vadd.f32 v17, v15;
	[tilespmem:s13+$0xC230] =	vst v14  }
0x1b4: {  	v11 =	vmul.f32 $2.262741660e+01, v11;
	v5 =	vadd.f32 v13, v5;
	v13 =	vld [tilespmem:s17+$0x220];
	[tilespmem:s13+$0xC240] =	vst v12  }
0x1b5: {  	v14 =	vld [tilespmem:s14+$0xC260];
	v3 =	vadd.f32 v3, v4;
	v9 =	vmul.f32 $2.262741660e+01, v9;
	[tilespmem:s14+$0xC270] =	vst v15;
	v4 =	vshll.u32 v18, $0x10  }
0x1b6: {  	v8 =	vmul.f32 $2.262741660e+01, v8;
	[tilespmem:s13+$0xC250] =	vst v5;
	v5 =	vand.u32 $0xFFFF0000, v18;
	v4 =	vadd.f32 v4, v11  }
0x1b7: {  	[tilespmem:s13+$0xC260] =	vst v3;
	v6 =	vmul.f32 $2.262741660e+01, v6;
	v3 =	vshll.u32 v16, $0x10;
	v5 =	vadd.f32 v5, v9  }
0x1b8: {  	v7 =	vmul.f32 $2.262741660e+01, v7;
	v9 =	vand.u32 $0xFFFF0000, v16;
	v3 =	vadd.f32 v3, v8;
	[tilespmem:s14+$0xC200] =	vst v4  }
0x1b9: {  	v8 =	vshll.u32 v13, $0x10;
	v6 =	vadd.f32 v9, v6;
	v4 =	vmul.f32 $2.262741660e+01, v19;
	[tilespmem:s14+$0xC210] =	vst v5  }
0x1ba: {  	v9 =	vand.u32 $0xFFFF0000, v13;
	v7 =	vadd.f32 v8, v7;
	v5 =	vmul.f32 $2.262741660e+01, v14;
	[tilespmem:s14+$0xC220] =	vst v3  }
0x1bb: {  	[tilespmem:s14+$0xC230] =	vst v6;
	v3 =	vadd.f32 v9, v4  }
0x1bc: {  	[tilespmem:s14+$0xC240] =	vst v7;
	v4 =	vadd.f32 v10, v5  }
0x1bd: {  	[tilespmem:s14+$0xC250] =	vst v3  }
0x1be: {  	s0 =	simm.s32 $0x0;
	s15 =	simm.s32 $0xC200;
	[tilespmem:s14+$0xC260] =	vst v4  }
0x1bf: {  	s16 =	simm.s32 $0x0;
	s17 =	simm.s32 $0x0;
	s4 =	rddreg [dreg:$0xb]  }
0x1c0: {  	[hbm4b:s4+s0] =	stream.linear.scatter [tilespmem:s15], [sflag:$0xB], $0x4000, $0x38;
	[tilespmem:$0x1C200] =	vst v63  }
0x1c1: {  	s13 =	sand.u32 $0x380, s17;
	s4 =	sand.u32 $0xC, s16;
	s0 =	sand.u32 $0x3000, s0  }
0x1c2: {  	s15 =	simm.s32 $0x0;
	_ =	swait.ge [sflag:s22], $0x4000;
	s18 =	sshll.u32 s4, $0x8  }
0x1c3: {  	s30 =	sand.u32 $0x3FFFFF00, s15;
	[sflag:s22] =	ssyncset.done $0x0;
	s0 =	sor.u32 s18, s0  }
0x1c4: {  	s4 =	sshll.u32 s4, $0x4;
	[sflag:s22] =	ssyncadd.s32 $0xFFFFC000;
	s0 =	sor.u32 s0, s13  }
0x1c5: {  	s4 =	sor.u32 s4, s30;
	v3 =	vld [tilespmem:s0+$0x10200]  }
0x1c6: {  	v9 =	vld [tilespmem:s4+$0x2200];
	_ =	sdelay $0x3  }
0x1c7: {  	v3 =	vmul.f32 $2.262741660e+01, v3  }
0x1c8: {  	s14 =	simm.s32 $0x4;
	v5 =	vld [tilespmem:s4+$0x2220];
	v4 =	vshll.u32 v9, $0x10  }
0x1c9: {  	s16 =	sand.u32 $0xC, s14;
	s15 =	simm.s32 $0x80;
	s13 =	sadd.s32 $0x10200, s0;
	v10 =	vld [tilespmem:s4+$0x2230];
	v3 =	vadd.f32 v4, v3  }
0x1ca: {  	s31 =	sand.u32 $0x3000, s15;
	s18 =	simm.s32 $0x20;
	s30 =	sshll.u32 s16, $0x8;
	v14 =	vld [tilespmem:s13+$0x20]  }
0x1cb: {  	s18 =	sand.u32 $0x380, s18;
	s17 =	sor.u32 s30, s31;
	v4 =	vld [tilespmem:s4+$0x2210];
	[tilespmem:s0+$0x10200] =	vst v3  }
0x1cc: {  	s31 =	sshll.u32 s16, $0x4;
	s16 =	sor.u32 s17, s18;
	s4 =	simm.s32 $0x40;
	v12 =	vld [tilespmem:s13+$0x10]  }
0x1cd: {  	v15 =	vld [tilespmem:s16+$0x10200];
	s0 =	sand.u32 $0x3FFFFF00, s4  }
0x1ce: {  	s17 =	sor.u32 s31, s0  }
0x1cf: {  	v3 =	vld [tilespmem:s17+$0x2200]  }
0x1d0: {  	v11 =	vld [tilespmem:s13+$0x30];
	v7 =	vshll.u32 v5, $0x10;
	v6 =	vand.u32 $0xFFFF0000, v5  }
0x1d1: {  	v13 =	vld [tilespmem:s13+$0x40];
	v5 =	vshll.u32 v10, $0x10;
	v9 =	vand.u32 $0xFFFF0000, v9;
	v17 =	vmul.f32 $2.262741660e+01, v12  }
0x1d2: {  	v14 =	vmul.f32 $2.262741660e+01, v14;
	v16 =	vmul.f32 $2.262741660e+01, v15;
	v18 =	vshll.u32 v4, $0x10;
	v12 =	vld [tilespmem:s13+$0x50]  }
0x1d3: {  	v8 =	vand.u32 $0xFFFF0000, v4;
	v4 =	vand.u32 $0xFFFF0000, v10;
	v10 =	vld [tilespmem:s13+$0x60];
	v15 =	vadd.f32 v9, v17  }
0x1d4: {  	v14 =	vadd.f32 v18, v14;
	v17 =	vshll.u32 v3, $0x10;
	v9 =	vld [tilespmem:s13+$0x70]  }
.LBB2_8:
0x1d5: {  	s14 =	sadd.s32 $0x4, s14;
	v16 =	vadd.f32 v17, v16;
	v17 =	vld [tilespmem:s17+$0x2210];
	s15 =	sadd.s32 $0x80, s15;
	[tilespmem:s13+$0x10] =	vst v15;
	v11 =	vmul.f32 $2.262741660e+01, v11  }
0x1d6: {  	s0 =	sand.u32 $0xC, s14;
	s4 =	sand.u32 $0x3000, s15;
	v15 =	vld [tilespmem:s17+$0x2220];
	[tilespmem:s13+$0x20] =	vst v14;
	v13 =	vmul.f32 $2.262741660e+01, v13  }
0x1d7: {  	s31 =	sadd.s32 $0x10200, s16;
	s18 =	sshll.u32 s14, $0x3;
	s30 =	sshll.u32 s0, $0x8;
	[tilespmem:s16+$0x10200] =	vst v16;
	v14 =	vld [tilespmem:s17+$0x2230];
	v8 =	vadd.f32 v8, v11;
	v11 =	vmul.f32 $2.262741660e+01, v12  }
0x1d8: {  	s16 =	sshll.u32 s14, $0x4;
	s17 =	sand.u32 $0x380, s18;
	s4 =	sor.u32 s30, s4;
	v12 =	vld [tilespmem:s31+$0x10];
	v7 =	vadd.f32 v7, v13;
	v10 =	vmul.f32 $2.262741660e+01, v10  }
0x1d9: {  	s0 =	sshll.u32 s0, $0x4;
	s18 =	sand.u32 $0x3FFFFF00, s16;
	s16 =	sor.u32 s4, s17;
	v16 =	vld [tilespmem:s31+$0x20];
	[tilespmem:s13+$0x30] =	vst v8;
	v11 =	vadd.f32 v6, v11;
	v9 =	vmul.f32 $2.262741660e+01, v9  }
0x1da: {  	p0 =	slt.u32 s14, $0x1FC;
	s17 =	sor.u32 s0, s18;
	v18 =	vld [tilespmem:s16+$0x10200];
	v19 =	vshll.u32 v17, $0x10;
	v8 =	vand.u32 $0xFFFF0000, v17;
	[tilespmem:s13+$0x40] =	vst v7;
	v10 =	vadd.f32 v5, v10  }
0x1db: {  	v20 =	vld [tilespmem:s17+$0x2200];
	v7 =	vshll.u32 v15, $0x10;
	v6 =	vand.u32 $0xFFFF0000, v15;
	[tilespmem:s13+$0x50] =	vst v11;
	v9 =	vadd.f32 v4, v9  }
.Ltmp3:
0x1dc: {  	v11 =	vld [tilespmem:s31+$0x30];
	v5 =	vshll.u32 v14, $0x10;
	v4 =	vand.u32 $0xFFFF0000, v14;
	[tilespmem:s13+$0x60] =	vst v10;
	(pc) =	sbr.rel @p0 .LBB2_8-.Ltmp3, $4  }
0x1dd: {  	v10 =	vmul.f32 $2.262741660e+01, v12;
	v13 =	vld [tilespmem:s31+$0x40];
	[tilespmem:s13+$0x70] =	vst v9;
	s13 =	smov.u32 s31  }
0x1de: {  	v21 =	vand.u32 $0xFFFF0000, v3;
	v9 =	vmul.f32 $2.262741660e+01, v16;
	v12 =	vld [tilespmem:s13+$0x50]  }
0x1df: {  	v16 =	vmul.f32 $2.262741660e+01, v18;
	v15 =	vadd.f32 v21, v10;
	v10 =	vld [tilespmem:s13+$0x60]  }
0x1e0: {  	v17 =	vshll.u32 v20, $0x10;
	v14 =	vadd.f32 v19, v9;
	v9 =	vld [tilespmem:s13+$0x70];
	v3 =	vmov v20  }
0x1e1: {  	v16 =	vadd.f32 v17, v16;
	v17 =	vld [tilespmem:s17+$0x2210]  }
0x1e2: {  	v18 =	vld [tilespmem:s17+$0x2220];
	s0 =	sadd.s32 $0x10200, s16  }
0x1e3: {  	v20 =	vld [tilespmem:s0+$0x20];
	[tilespmem:s16+$0x10200] =	vst v16  }
0x1e4: {  	v11 =	vmul.f32 $2.262741660e+01, v11;
	v19 =	vld [tilespmem:s0+$0x10]  }
0x1e5: {  	v13 =	vmul.f32 $2.262741660e+01, v13;
	v16 =	vld [tilespmem:s17+$0x2230]  }
0x1e6: {  	[tilespmem:s13+$0x10] =	vst v15;
	v8 =	vadd.f32 v8, v11;
	v11 =	vmul.f32 $2.262741660e+01, v12;
	v12 =	vld [tilespmem:s0+$0x30]  }
0x1e7: {  	[tilespmem:s13+$0x20] =	vst v14;
	v7 =	vadd.f32 v7, v13;
	v10 =	vmul.f32 $2.262741660e+01, v10;
	v13 =	vld [tilespmem:s0+$0x40]  }
0x1e8: {  	[tilespmem:s13+$0x30] =	vst v8;
	v6 =	vadd.f32 v6, v11;
	v8 =	vmul.f32 $2.262741660e+01, v9;
	v9 =	vld [tilespmem:s0+$0x50]  }
0x1e9: {  	[tilespmem:s13+$0x40] =	vst v7;
	v5 =	vadd.f32 v5, v10;
	v10 =	vld [tilespmem:s0+$0x60];
	v7 =	vmul.f32 $2.262741660e+01, v19  }
0x1ea: {  	v3 =	vand.u32 $0xFFFF0000, v3;
	[tilespmem:s13+$0x50] =	vst v6;
	v4 =	vadd.f32 v4, v8;
	v6 =	vmul.f32 $2.262741660e+01, v20;
	v8 =	vld [tilespmem:s0+$0x70]  }
0x1eb: {  	v11 =	vshll.u32 v17, $0x10;
	[tilespmem:s13+$0x60] =	vst v5;
	v5 =	vmul.f32 $2.262741660e+01, v12;
	v3 =	vadd.f32 v3, v7  }
0x1ec: {  	[tilespmem:s13+$0x70] =	vst v4;
	v4 =	vadd.f32 v11, v6;
	v6 =	vmul.f32 $2.262741660e+01, v13;
	v7 =	vand.u32 $0xFFFF0000, v17  }
0x1ed: {  	v11 =	vshll.u32 v18, $0x10;
	[tilespmem:s0+$0x10] =	vst v3;
	v3 =	vadd.f32 v7, v5;
	v5 =	vmul.f32 $2.262741660e+01, v9  }
0x1ee: {  	[tilespmem:s0+$0x20] =	vst v4;
	v4 =	vadd.f32 v11, v6;
	v6 =	vmul.f32 $2.262741660e+01, v10;
	v7 =	vand.u32 $0xFFFF0000, v18  }
0x1ef: {  	v9 =	vshll.u32 v16, $0x10;
	[tilespmem:s0+$0x30] =	vst v3;
	v3 =	vadd.f32 v7, v5;
	v5 =	vmul.f32 $2.262741660e+01, v8  }
0x1f0: {  	[tilespmem:s0+$0x40] =	vst v4;
	v4 =	vadd.f32 v9, v6;
	v7 =	vand.u32 $0xFFFF0000, v16  }
0x1f1: {  	[tilespmem:s0+$0x50] =	vst v3;
	v3 =	vadd.f32 v7, v5  }
0x1f2: {  	[tilespmem:s0+$0x60] =	vst v4  }
0x1f3: {  	s15 =	simm.s32 $0x0;
	s18 =	simm.s32 $0x0;
	[tilespmem:s0+$0x70] =	vst v3  }
0x1f4: {  	s16 =	simm.s32 $0x10200;
	s17 =	simm.s32 $0x0;
	s4 =	rddreg [dreg:$0xc]  }
0x1f5: {  	[hbm4b:s4+s15] =	stream.linear.scatter [tilespmem:s16], [sflag:$0xC], $0x4000, $0x38;
	[tilespmem:$0x1C200] =	vst v63  }
0x1f6: {  	s13 =	sand.u32 $0x380, s18;
	s0 =	sand.u32 $0x3000, s15;
	s4 =	sand.u32 $0xC, s17  }
0x1f7: {  	s15 =	simm.s32 $0x0;
	_ =	swait.ge [sflag:s25], $0x4000;
	s14 =	sshll.u32 s4, $0x8  }
0x1f8: {  	s30 =	sand.u32 $0x3FFFFF00, s15;
	[sflag:s25] =	ssyncset.done $0x0;
	s0 =	sor.u32 s14, s0  }
0x1f9: {  	s4 =	sshll.u32 s4, $0x4;
	[sflag:s25] =	ssyncadd.s32 $0xFFFFC000;
	s0 =	sor.u32 s0, s13  }
0x1fa: {  	s4 =	sor.u32 s4, s30;
	v3 =	vld [tilespmem:s0+$0x14200]  }
0x1fb: {  	v9 =	vld [tilespmem:s4+$0x200];
	_ =	sdelay $0x3  }
0x1fc: {  	v3 =	vmul.f32 $2.262741660e+01, v3  }
0x1fd: {  	s14 =	simm.s32 $0x4;
	v5 =	vld [tilespmem:s4+$0x220];
	v4 =	vshll.u32 v9, $0x10  }
0x1fe: {  	s15 =	simm.s32 $0x80;
	s16 =	sand.u32 $0xC, s14;
	s13 =	sadd.s32 $0x14200, s0;
	v10 =	vld [tilespmem:s4+$0x230];
	v3 =	vadd.f32 v4, v3  }
0x1ff: {  	s18 =	simm.s32 $0x20;
	s31 =	sand.u32 $0x3000, s15;
	s30 =	sshll.u32 s16, $0x8;
	v14 =	vld [tilespmem:s13+$0x20]  }
0x200: {  	s18 =	sand.u32 $0x380, s18;
	s17 =	sor.u32 s30, s31;
	v4 =	vld [tilespmem:s4+$0x210];
	[tilespmem:s0+$0x14200] =	vst v3  }
0x201: {  	s31 =	sshll.u32 s16, $0x4;
	s16 =	sor.u32 s17, s18;
	s4 =	simm.s32 $0x40;
	v12 =	vld [tilespmem:s13+$0x10]  }
0x202: {  	v15 =	vld [tilespmem:s16+$0x14200];
	s0 =	sand.u32 $0x3FFFFF00, s4  }
0x203: {  	s17 =	sor.u32 s31, s0  }
0x204: {  	v3 =	vld [tilespmem:s17+$0x200]  }
0x205: {  	v11 =	vld [tilespmem:s13+$0x30];
	v7 =	vshll.u32 v5, $0x10;
	v6 =	vand.u32 $0xFFFF0000, v5  }
0x206: {  	v13 =	vld [tilespmem:s13+$0x40];
	v5 =	vshll.u32 v10, $0x10;
	v9 =	vand.u32 $0xFFFF0000, v9;
	v17 =	vmul.f32 $2.262741660e+01, v12  }
0x207: {  	v14 =	vmul.f32 $2.262741660e+01, v14;
	v16 =	vmul.f32 $2.262741660e+01, v15;
	v18 =	vshll.u32 v4, $0x10;
	v12 =	vld [tilespmem:s13+$0x50]  }
0x208: {  	v8 =	vand.u32 $0xFFFF0000, v4;
	v4 =	vand.u32 $0xFFFF0000, v10;
	v10 =	vld [tilespmem:s13+$0x60];
	v15 =	vadd.f32 v9, v17  }
0x209: {  	v14 =	vadd.f32 v18, v14;
	v17 =	vshll.u32 v3, $0x10;
	v9 =	vld [tilespmem:s13+$0x70]  }
.LBB2_10:
0x20a: {  	s14 =	sadd.s32 $0x4, s14;
	v16 =	vadd.f32 v17, v16;
	v17 =	vld [tilespmem:s17+$0x210];
	s15 =	sadd.s32 $0x80, s15;
	[tilespmem:s13+$0x10] =	vst v15;
	v11 =	vmul.f32 $2.262741660e+01, v11  }
0x20b: {  	s0 =	sand.u32 $0xC, s14;
	s4 =	sand.u32 $0x3000, s15;
	v15 =	vld [tilespmem:s17+$0x220];
	[tilespmem:s13+$0x20] =	vst v14;
	v13 =	vmul.f32 $2.262741660e+01, v13  }
0x20c: {  	s31 =	sadd.s32 $0x14200, s16;
	s18 =	sshll.u32 s14, $0x3;
	s30 =	sshll.u32 s0, $0x8;
	[tilespmem:s16+$0x14200] =	vst v16;
	v14 =	vld [tilespmem:s17+$0x230];
	v8 =	vadd.f32 v8, v11;
	v11 =	vmul.f32 $2.262741660e+01, v12  }
0x20d: {  	s16 =	sshll.u32 s14, $0x4;
	s17 =	sand.u32 $0x380, s18;
	s4 =	sor.u32 s30, s4;
	v12 =	vld [tilespmem:s31+$0x10];
	v7 =	vadd.f32 v7, v13;
	v10 =	vmul.f32 $2.262741660e+01, v10  }
0x20e: {  	s0 =	sshll.u32 s0, $0x4;
	s18 =	sand.u32 $0x3FFFFF00, s16;
	s16 =	sor.u32 s4, s17;
	v16 =	vld [tilespmem:s31+$0x20];
	[tilespmem:s13+$0x30] =	vst v8;
	v11 =	vadd.f32 v6, v11;
	v9 =	vmul.f32 $2.262741660e+01, v9  }
0x20f: {  	p0 =	slt.u32 s14, $0x1FC;
	s17 =	sor.u32 s0, s18;
	v18 =	vld [tilespmem:s16+$0x14200];
	v19 =	vshll.u32 v17, $0x10;
	v8 =	vand.u32 $0xFFFF0000, v17;
	[tilespmem:s13+$0x40] =	vst v7;
	v10 =	vadd.f32 v5, v10  }
0x210: {  	v20 =	vld [tilespmem:s17+$0x200];
	v7 =	vshll.u32 v15, $0x10;
	v6 =	vand.u32 $0xFFFF0000, v15;
	[tilespmem:s13+$0x50] =	vst v11;
	v9 =	vadd.f32 v4, v9  }
.Ltmp4:
0x211: {  	v11 =	vld [tilespmem:s31+$0x30];
	v5 =	vshll.u32 v14, $0x10;
	v4 =	vand.u32 $0xFFFF0000, v14;
	[tilespmem:s13+$0x60] =	vst v10;
	(pc) =	sbr.rel @p0 .LBB2_10-.Ltmp4, $4  }
0x212: {  	v10 =	vmul.f32 $2.262741660e+01, v12;
	v13 =	vld [tilespmem:s31+$0x40];
	[tilespmem:s13+$0x70] =	vst v9;
	s13 =	smov.u32 s31  }
0x213: {  	v21 =	vand.u32 $0xFFFF0000, v3;
	v9 =	vmul.f32 $2.262741660e+01, v16;
	v12 =	vld [tilespmem:s13+$0x50]  }
0x214: {  	v16 =	vmul.f32 $2.262741660e+01, v18;
	v15 =	vadd.f32 v21, v10;
	v10 =	vld [tilespmem:s13+$0x60]  }
0x215: {  	v17 =	vshll.u32 v20, $0x10;
	v14 =	vadd.f32 v19, v9;
	v9 =	vld [tilespmem:s13+$0x70];
	v3 =	vmov v20  }
0x216: {  	v16 =	vadd.f32 v17, v16;
	v17 =	vld [tilespmem:s17+$0x210]  }
0x217: {  	v18 =	vld [tilespmem:s17+$0x220];
	s0 =	sadd.s32 $0x14200, s16  }
0x218: {  	v20 =	vld [tilespmem:s0+$0x20];
	[tilespmem:s16+$0x14200] =	vst v16  }
0x219: {  	v11 =	vmul.f32 $2.262741660e+01, v11;
	v19 =	vld [tilespmem:s0+$0x10]  }
0x21a: {  	v13 =	vmul.f32 $2.262741660e+01, v13;
	v16 =	vld [tilespmem:s17+$0x230]  }
0x21b: {  	[tilespmem:s13+$0x10] =	vst v15;
	v8 =	vadd.f32 v8, v11;
	v11 =	vmul.f32 $2.262741660e+01, v12;
	v12 =	vld [tilespmem:s0+$0x30]  }
0x21c: {  	[tilespmem:s13+$0x20] =	vst v14;
	v7 =	vadd.f32 v7, v13;
	v10 =	vmul.f32 $2.262741660e+01, v10;
	v13 =	vld [tilespmem:s0+$0x40]  }
0x21d: {  	[tilespmem:s13+$0x30] =	vst v8;
	v6 =	vadd.f32 v6, v11;
	v8 =	vmul.f32 $2.262741660e+01, v9;
	v9 =	vld [tilespmem:s0+$0x50]  }
0x21e: {  	[tilespmem:s13+$0x40] =	vst v7;
	v5 =	vadd.f32 v5, v10;
	v10 =	vld [tilespmem:s0+$0x60];
	v7 =	vmul.f32 $2.262741660e+01, v19  }
0x21f: {  	v3 =	vand.u32 $0xFFFF0000, v3;
	[tilespmem:s13+$0x50] =	vst v6;
	v4 =	vadd.f32 v4, v8;
	v6 =	vmul.f32 $2.262741660e+01, v20;
	v8 =	vld [tilespmem:s0+$0x70]  }
0x220: {  	v11 =	vshll.u32 v17, $0x10;
	[tilespmem:s13+$0x60] =	vst v5;
	v5 =	vmul.f32 $2.262741660e+01, v12;
	v3 =	vadd.f32 v3, v7  }
0x221: {  	[tilespmem:s13+$0x70] =	vst v4;
	v4 =	vadd.f32 v11, v6;
	v6 =	vmul.f32 $2.262741660e+01, v13;
	v7 =	vand.u32 $0xFFFF0000, v17  }
0x222: {  	v11 =	vshll.u32 v18, $0x10;
	[tilespmem:s0+$0x10] =	vst v3;
	v3 =	vadd.f32 v7, v5;
	v5 =	vmul.f32 $2.262741660e+01, v9  }
0x223: {  	[tilespmem:s0+$0x20] =	vst v4;
	v4 =	vadd.f32 v11, v6;
	v6 =	vmul.f32 $2.262741660e+01, v10;
	v7 =	vand.u32 $0xFFFF0000, v18  }
0x224: {  	v9 =	vshll.u32 v16, $0x10;
	[tilespmem:s0+$0x30] =	vst v3;
	v3 =	vadd.f32 v7, v5;
	v5 =	vmul.f32 $2.262741660e+01, v8  }
0x225: {  	[tilespmem:s0+$0x40] =	vst v4;
	v4 =	vadd.f32 v9, v6;
	v7 =	vand.u32 $0xFFFF0000, v16  }
0x226: {  	[tilespmem:s0+$0x50] =	vst v3;
	v3 =	vadd.f32 v7, v5  }
0x227: {  	[tilespmem:s0+$0x60] =	vst v4  }
0x228: {  	s15 =	simm.s32 $0x0;
	s18 =	simm.s32 $0x0;
	[tilespmem:s0+$0x70] =	vst v3  }
0x229: {  	s16 =	simm.s32 $0x14200;
	s17 =	simm.s32 $0x0;
	s4 =	rddreg [dreg:$0xd]  }
0x22a: {  	[hbm4b:s4+s15] =	stream.linear.scatter [tilespmem:s16], [sflag:$0xD], $0x4000, $0x38;
	[tilespmem:$0x1C200] =	vst v63  }
0x22b: {  	s13 =	sand.u32 $0x380, s18;
	s0 =	sand.u32 $0x3000, s15;
	s4 =	sand.u32 $0xC, s17  }
0x22c: {  	s15 =	simm.s32 $0x0;
	_ =	swait.ge [sflag:s8], $0x4000;
	s14 =	sshll.u32 s4, $0x8  }
0x22d: {  	s30 =	sand.u32 $0x3FFFFF00, s15;
	[sflag:s8] =	ssyncset.done $0x0;
	s0 =	sor.u32 s14, s0  }
0x22e: {  	s4 =	sshll.u32 s4, $0x4;
	[sflag:s8] =	ssyncadd.s32 $0xFFFFC000;
	s0 =	sor.u32 s0, s13  }
0x22f: {  	s4 =	sor.u32 s4, s30;
	v3 =	vld [tilespmem:s0+$0x18200]  }
0x230: {  	v9 =	vld [tilespmem:s4+$0x2200];
	_ =	sdelay $0x3  }
0x231: {  	v3 =	vmul.f32 $2.262741660e+01, v3  }
0x232: {  	s14 =	simm.s32 $0x4;
	v5 =	vld [tilespmem:s4+$0x2220];
	v4 =	vshll.u32 v9, $0x10  }
0x233: {  	s15 =	simm.s32 $0x80;
	s16 =	sand.u32 $0xC, s14;
	s13 =	sadd.s32 $0x18200, s0;
	v10 =	vld [tilespmem:s4+$0x2230];
	v3 =	vadd.f32 v4, v3  }
0x234: {  	s18 =	simm.s32 $0x20;
	s31 =	sand.u32 $0x3000, s15;
	s30 =	sshll.u32 s16, $0x8;
	v14 =	vld [tilespmem:s13+$0x20]  }
0x235: {  	s18 =	sand.u32 $0x380, s18;
	s17 =	sor.u32 s30, s31;
	v4 =	vld [tilespmem:s4+$0x2210];
	[tilespmem:s0+$0x18200] =	vst v3  }
0x236: {  	s31 =	sshll.u32 s16, $0x4;
	s16 =	sor.u32 s17, s18;
	s4 =	simm.s32 $0x40;
	v12 =	vld [tilespmem:s13+$0x10]  }
0x237: {  	v15 =	vld [tilespmem:s16+$0x18200];
	s0 =	sand.u32 $0x3FFFFF00, s4  }
0x238: {  	s17 =	sor.u32 s31, s0  }
0x239: {  	v3 =	vld [tilespmem:s17+$0x2200]  }
0x23a: {  	v11 =	vld [tilespmem:s13+$0x30];
	v7 =	vshll.u32 v5, $0x10;
	v6 =	vand.u32 $0xFFFF0000, v5  }
0x23b: {  	v13 =	vld [tilespmem:s13+$0x40];
	v5 =	vshll.u32 v10, $0x10;
	v9 =	vand.u32 $0xFFFF0000, v9;
	v17 =	vmul.f32 $2.262741660e+01, v12  }
0x23c: {  	v14 =	vmul.f32 $2.262741660e+01, v14;
	v16 =	vmul.f32 $2.262741660e+01, v15;
	v18 =	vshll.u32 v4, $0x10;
	v12 =	vld [tilespmem:s13+$0x50]  }
0x23d: {  	v8 =	vand.u32 $0xFFFF0000, v4;
	v4 =	vand.u32 $0xFFFF0000, v10;
	v10 =	vld [tilespmem:s13+$0x60];
	v15 =	vadd.f32 v9, v17  }
0x23e: {  	v14 =	vadd.f32 v18, v14;
	v17 =	vshll.u32 v3, $0x10;
	v9 =	vld [tilespmem:s13+$0x70]  }
.LBB2_12:
0x23f: {  	s14 =	sadd.s32 $0x4, s14;
	v16 =	vadd.f32 v17, v16;
	v17 =	vld [tilespmem:s17+$0x2210];
	s15 =	sadd.s32 $0x80, s15;
	[tilespmem:s13+$0x10] =	vst v15;
	v11 =	vmul.f32 $2.262741660e+01, v11  }
0x240: {  	s0 =	sand.u32 $0xC, s14;
	s4 =	sand.u32 $0x3000, s15;
	v15 =	vld [tilespmem:s17+$0x2220];
	[tilespmem:s13+$0x20] =	vst v14;
	v13 =	vmul.f32 $2.262741660e+01, v13  }
0x241: {  	s31 =	sadd.s32 $0x18200, s16;
	s18 =	sshll.u32 s14, $0x3;
	s30 =	sshll.u32 s0, $0x8;
	[tilespmem:s16+$0x18200] =	vst v16;
	v14 =	vld [tilespmem:s17+$0x2230];
	v8 =	vadd.f32 v8, v11;
	v11 =	vmul.f32 $2.262741660e+01, v12  }
0x242: {  	s16 =	sshll.u32 s14, $0x4;
	s17 =	sand.u32 $0x380, s18;
	s4 =	sor.u32 s30, s4;
	v12 =	vld [tilespmem:s31+$0x10];
	v7 =	vadd.f32 v7, v13;
	v10 =	vmul.f32 $2.262741660e+01, v10  }
0x243: {  	s0 =	sshll.u32 s0, $0x4;
	s18 =	sand.u32 $0x3FFFFF00, s16;
	s16 =	sor.u32 s4, s17;
	v16 =	vld [tilespmem:s31+$0x20];
	[tilespmem:s13+$0x30] =	vst v8;
	v11 =	vadd.f32 v6, v11;
	v9 =	vmul.f32 $2.262741660e+01, v9  }
0x244: {  	p0 =	slt.u32 s14, $0x1FC;
	s17 =	sor.u32 s0, s18;
	v18 =	vld [tilespmem:s16+$0x18200];
	v19 =	vshll.u32 v17, $0x10;
	v8 =	vand.u32 $0xFFFF0000, v17;
	[tilespmem:s13+$0x40] =	vst v7;
	v10 =	vadd.f32 v5, v10  }
0x245: {  	v20 =	vld [tilespmem:s17+$0x2200];
	v7 =	vshll.u32 v15, $0x10;
	v6 =	vand.u32 $0xFFFF0000, v15;
	[tilespmem:s13+$0x50] =	vst v11;
	v9 =	vadd.f32 v4, v9  }
.Ltmp5:
0x246: {  	v11 =	vld [tilespmem:s31+$0x30];
	v5 =	vshll.u32 v14, $0x10;
	v4 =	vand.u32 $0xFFFF0000, v14;
	[tilespmem:s13+$0x60] =	vst v10;
	(pc) =	sbr.rel @p0 .LBB2_12-.Ltmp5, $4  }
0x247: {  	v10 =	vmul.f32 $2.262741660e+01, v12;
	v13 =	vld [tilespmem:s31+$0x40];
	[tilespmem:s13+$0x70] =	vst v9;
	s13 =	smov.u32 s31  }
0x248: {  	v21 =	vand.u32 $0xFFFF0000, v3;
	v9 =	vmul.f32 $2.262741660e+01, v16;
	v12 =	vld [tilespmem:s13+$0x50]  }
0x249: {  	v16 =	vmul.f32 $2.262741660e+01, v18;
	v15 =	vadd.f32 v21, v10;
	v10 =	vld [tilespmem:s13+$0x60]  }
0x24a: {  	v17 =	vshll.u32 v20, $0x10;
	v14 =	vadd.f32 v19, v9;
	v9 =	vld [tilespmem:s13+$0x70];
	v3 =	vmov v20  }
0x24b: {  	v16 =	vadd.f32 v17, v16;
	v17 =	vld [tilespmem:s17+$0x2210]  }
0x24c: {  	v18 =	vld [tilespmem:s17+$0x2220];
	s0 =	sadd.s32 $0x18200, s16  }
0x24d: {  	v20 =	vld [tilespmem:s0+$0x20];
	[tilespmem:s16+$0x18200] =	vst v16  }
0x24e: {  	v11 =	vmul.f32 $2.262741660e+01, v11;
	v19 =	vld [tilespmem:s0+$0x10]  }
0x24f: {  	v13 =	vmul.f32 $2.262741660e+01, v13;
	v16 =	vld [tilespmem:s17+$0x2230]  }
0x250: {  	[tilespmem:s13+$0x10] =	vst v15;
	v8 =	vadd.f32 v8, v11;
	v11 =	vmul.f32 $2.262741660e+01, v12;
	v12 =	vld [tilespmem:s0+$0x30]  }
0x251: {  	[tilespmem:s13+$0x20] =	vst v14;
	v7 =	vadd.f32 v7, v13;
	v10 =	vmul.f32 $2.262741660e+01, v10;
	v13 =	vld [tilespmem:s0+$0x40]  }
0x252: {  	[tilespmem:s13+$0x30] =	vst v8;
	v6 =	vadd.f32 v6, v11;
	v8 =	vmul.f32 $2.262741660e+01, v9;
	v9 =	vld [tilespmem:s0+$0x50]  }
0x253: {  	[tilespmem:s13+$0x40] =	vst v7;
	v5 =	vadd.f32 v5, v10;
	v10 =	vld [tilespmem:s0+$0x60];
	v7 =	vmul.f32 $2.262741660e+01, v19  }
0x254: {  	v3 =	vand.u32 $0xFFFF0000, v3;
	[tilespmem:s13+$0x50] =	vst v6;
	v4 =	vadd.f32 v4, v8;
	v6 =	vmul.f32 $2.262741660e+01, v20;
	v8 =	vld [tilespmem:s0+$0x70]  }
0x255: {  	v11 =	vshll.u32 v17, $0x10;
	[tilespmem:s13+$0x60] =	vst v5;
	v5 =	vmul.f32 $2.262741660e+01, v12;
	v3 =	vadd.f32 v3, v7  }
0x256: {  	[tilespmem:s13+$0x70] =	vst v4;
	v4 =	vadd.f32 v11, v6;
	v6 =	vmul.f32 $2.262741660e+01, v13;
	v7 =	vand.u32 $0xFFFF0000, v17  }
0x257: {  	v11 =	vshll.u32 v18, $0x10;
	[tilespmem:s0+$0x10] =	vst v3;
	v3 =	vadd.f32 v7, v5;
	v5 =	vmul.f32 $2.262741660e+01, v9  }
0x258: {  	[tilespmem:s0+$0x20] =	vst v4;
	v4 =	vadd.f32 v11, v6;
	v6 =	vmul.f32 $2.262741660e+01, v10;
	v7 =	vand.u32 $0xFFFF0000, v18  }
0x259: {  	v9 =	vshll.u32 v16, $0x10;
	[tilespmem:s0+$0x30] =	vst v3;
	v3 =	vadd.f32 v7, v5;
	v5 =	vmul.f32 $2.262741660e+01, v8  }
0x25a: {  	[tilespmem:s0+$0x40] =	vst v4;
	v4 =	vadd.f32 v9, v6;
	v7 =	vand.u32 $0xFFFF0000, v16  }
0x25b: {  	[tilespmem:s0+$0x50] =	vst v3;
	v3 =	vadd.f32 v7, v5  }
0x25c: {  	[tilespmem:s0+$0x60] =	vst v4  }
0x25d: {  	s15 =	simm.s32 $0x0;
	s18 =	simm.s32 $0x0;
	[tilespmem:s0+$0x70] =	vst v3  }
0x25e: {  	s16 =	simm.s32 $0x18200;
	s17 =	simm.s32 $0x0;
	s4 =	rddreg [dreg:$0xe]  }
0x25f: {  	[hbm4b:s4+s15] =	stream.linear.scatter [tilespmem:s16], [sflag:$0xE], $0x4000, $0x38;
	[tilespmem:$0x1C200] =	vst v63  }
0x260: {  	s13 =	sand.u32 $0x380, s18;
	s0 =	sand.u32 $0x3000, s15;
	s4 =	sand.u32 $0xC, s17  }
0x261: {  	s15 =	simm.s32 $0x0;
	_ =	swait.ge [sflag:s19], $0x4000;
	s14 =	sshll.u32 s4, $0x8  }
0x262: {  	s30 =	sand.u32 $0x3FFFFF00, s15;
	[sflag:s19] =	ssyncset.done $0x0;
	s0 =	sor.u32 s14, s0  }
0x263: {  	s4 =	sshll.u32 s4, $0x4;
	[sflag:s19] =	ssyncadd.s32 $0xFFFFC000;
	s13 =	sor.u32 s0, s13  }
0x264: {  	s0 =	sor.u32 s4, s30;
	v3 =	vld [tilespmem:s13+$0x4270]  }
0x265: {  	v4 =	vld [tilespmem:s0+$0x230]  }
0x266: {  	v5 =	vld [tilespmem:s13+$0x4200]  }
0x267: {  	v6 =	vld [tilespmem:s13+$0x4210]  }
0x268: {  	v7 =	vld [tilespmem:s13+$0x4220]  }
0x269: {  	v8 =	vld [tilespmem:s13+$0x4230]  }
0x26a: {  	v9 =	vld [tilespmem:s13+$0x4240]  }
0x26b: {  	s15 =	simm.s32 $0x4;
	v10 =	vld [tilespmem:s13+$0x4250]  }
0x26c: {  	s16 =	simm.s32 $0x80;
	s4 =	sand.u32 $0xC, s15;
	v12 =	vld [tilespmem:s0+$0x200]  }
0x26d: {  	s31 =	simm.s32 $0x20;
	s14 =	sand.u32 $0x3000, s16;
	v11 =	vld [tilespmem:s13+$0x4260];
	s18 =	sshll.u32 s4, $0x8  }
0x26e: {  	s17 =	sand.u32 $0x380, s31;
	s30 =	simm.s32 $0x40;
	v14 =	vld [tilespmem:s0+$0x210];
	s14 =	sor.u32 s18, s14;
	v13 =	vmul.f32 $2.262741660e+01, v3  }
0x26f: {  	s31 =	sand.u32 $0x3FFFFF00, s30;
	s4 =	sshll.u32 s4, $0x4;
	v16 =	vld [tilespmem:s0+$0x220];
	s14 =	sor.u32 s14, s17;
	v3 =	vshll.u32 v4, $0x10;
	v15 =	vmul.f32 $2.262741660e+01, v5;
	v6 =	vmul.f32 $2.262741660e+01, v6  }
0x270: {  	s17 =	sor.u32 s4, s31;
	v18 =	vld [tilespmem:s14+$0x4270];
	v4 =	vand.u32 $0xFFFF0000, v4;
	v7 =	vmul.f32 $2.262741660e+01, v7;
	v17 =	vmul.f32 $2.262741660e+01, v8  }
0x271: {  	v63 =	vld [tilespmem:s17+$0x230];
	v19 =	vmul.f32 $2.262741660e+01, v9;
	v5 =	vmul.f32 $2.262741660e+01, v10;
	v10 =	vshll.u32 v12, $0x10  }
0x272: {  	v12 =	vand.u32 $0xFFFF0000, v12;
	v8 =	vadd.f32 v4, v13;
	v4 =	vmul.f32 $2.262741660e+01, v11;
	v11 =	vld [tilespmem:s14+$0x4200]  }
0x273: {  	v9 =	vld [tilespmem:s14+$0x4210];
	v21 =	vshll.u32 v14, $0x10;
	v14 =	vand.u32 $0xFFFF0000, v14;
	v10 =	vadd.f32 v10, v15  }
0x274: {  	v22 =	vshll.u32 v16, $0x10;
	v12 =	vadd.f32 v12, v6;
	v13 =	vand.u32 $0xFFFF0000, v16;
	[tilespmem:s13+$0x4270] =	vst v8;
	v8 =	vld [tilespmem:s14+$0x4220]  }
0x275: {  	v6 =	vld [tilespmem:s14+$0x4230];
	v16 =	vadd.f32 v21, v7;
	v14 =	vadd.f32 v14, v17;
	v15 =	vmul.f32 $2.262741660e+01, v18;
	[tilespmem:s13+$0x4200] =	vst v10  }
0x276: {  	v7 =	vld [tilespmem:s14+$0x4240];
	v17 =	vand.u32 $0xFFFF0000, v63;
	v10 =	vshll.u32 v63, $0x10;
	[tilespmem:s13+$0x4210] =	vst v12;
	v12 =	vadd.f32 v22, v19  }
.LBB2_14:
0x277: {  	s15 =	sadd.s32 $0x4, s15;
	v18 =	vmul.f32 $2.262741660e+01, v11;
	v11 =	vld [tilespmem:s14+$0x4250];
	v15 =	vadd.f32 v17, v15;
	[tilespmem:s13+$0x4220] =	vst v16;
	v5 =	vadd.f32 v13, v5  }
0x278: {  	s16 =	sadd.s32 $0x80, s16;
	v4 =	vadd.f32 v3, v4;
	v3 =	vmov v10;
	s0 =	sand.u32 $0xC, s15;
	p0 =	slt.u32 s15, $0x1FC;
	v13 =	vmul.f32 $2.262741660e+01, v9;
	v9 =	vld [tilespmem:s14+$0x4260];
	[tilespmem:s13+$0x4230] =	vst v14  }
0x279: {  	s4 =	sand.u32 $0x3000, s16;
	s18 =	sshll.u32 s15, $0x3;
	s30 =	sshll.u32 s0, $0x8;
	v10 =	vld [tilespmem:s17+$0x200];
	v14 =	vmul.f32 $2.262741660e+01, v8;
	[tilespmem:s14+$0x4270] =	vst v15  }
0x27a: {  	s31 =	sshll.u32 s15, $0x4;
	s18 =	sand.u32 $0x380, s18;
	s4 =	sor.u32 s30, s4;
	v8 =	vld [tilespmem:s17+$0x210];
	v17 =	vmul.f32 $2.262741660e+01, v6;
	[tilespmem:s13+$0x4240] =	vst v12  }
0x27b: {  	s0 =	sshll.u32 s0, $0x4;
	s30 =	sand.u32 $0x3FFFFF00, s31;
	s4 =	sor.u32 s4, s18;
	v6 =	vld [tilespmem:s17+$0x220];
	v12 =	vmul.f32 $2.262741660e+01, v7;
	[tilespmem:s13+$0x4250] =	vst v5  }
0x27c: {  	s17 =	sor.u32 s0, s30;
	v7 =	vld [tilespmem:s4+$0x4270];
	v5 =	vmul.f32 $2.262741660e+01, v11;
	[tilespmem:s13+$0x4260] =	vst v4;
	s13 =	smov.u32 s14;
	s14 =	smov.u32 s4  }
0x27d: {  	v19 =	vld [tilespmem:s17+$0x230];
	v4 =	vmul.f32 $2.262741660e+01, v9  }
.Ltmp6:
0x27e: {  	v11 =	vld [tilespmem:s14+$0x4200];
	v15 =	vshll.u32 v10, $0x10;
	v10 =	vand.u32 $0xFFFF0000, v10;
	(pc) =	sbr.rel @p0 .LBB2_14-.Ltmp6, $4  }
0x27f: {  	v9 =	vld [tilespmem:s14+$0x4210];
	v16 =	vadd.f32 v15, v18;
	v18 =	vshll.u32 v8, $0x10;
	v20 =	vand.u32 $0xFFFF0000, v8  }
0x280: {  	v21 =	vadd.f32 v10, v13;
	v8 =	vld [tilespmem:s14+$0x4220];
	v22 =	vshll.u32 v6, $0x10;
	v13 =	vand.u32 $0xFFFF0000, v6  }
0x281: {  	v6 =	vld [tilespmem:s14+$0x4230];
	v15 =	vmul.f32 $2.262741660e+01, v7;
	[tilespmem:s13+$0x4200] =	vst v16;
	v16 =	vadd.f32 v18, v14;
	v14 =	vadd.f32 v20, v17  }
0x282: {  	v12 =	vadd.f32 v22, v12;
	v7 =	vld [tilespmem:s14+$0x4240];
	v10 =	vshll.u32 v19, $0x10;
	v17 =	vand.u32 $0xFFFF0000, v19;
	[tilespmem:s13+$0x4210] =	vst v21  }
0x283: {  	v18 =	vld [tilespmem:s17+$0x200];
	_ =	sdelay $0x1  }
0x284: {  	[tilespmem:s13+$0x4220] =	vst v16;
	v16 =	vld [tilespmem:s17+$0x210]  }
0x285: {  	v19 =	vld [tilespmem:s14+$0x4250];
	v15 =	vadd.f32 v17, v15;
	[tilespmem:s13+$0x4230] =	vst v14  }
0x286: {  	v11 =	vmul.f32 $2.262741660e+01, v11;
	v5 =	vadd.f32 v13, v5;
	v13 =	vld [tilespmem:s17+$0x220];
	[tilespmem:s13+$0x4240] =	vst v12  }
0x287: {  	v17 =	vld [tilespmem:s14+$0x4260];
	v3 =	vadd.f32 v3, v4;
	v9 =	vmul.f32 $2.262741660e+01, v9;
	[tilespmem:s14+$0x4270] =	vst v15;
	v4 =	vshll.u32 v18, $0x10  }
0x288: {  	v8 =	vmul.f32 $2.262741660e+01, v8;
	[tilespmem:s13+$0x4250] =	vst v5;
	v5 =	vand.u32 $0xFFFF0000, v18;
	v4 =	vadd.f32 v4, v11  }
0x289: {  	[tilespmem:s13+$0x4260] =	vst v3;
	v6 =	vmul.f32 $2.262741660e+01, v6;
	v3 =	vshll.u32 v16, $0x10;
	v5 =	vadd.f32 v5, v9  }
0x28a: {  	v7 =	vmul.f32 $2.262741660e+01, v7;
	v9 =	vand.u32 $0xFFFF0000, v16;
	v3 =	vadd.f32 v3, v8;
	[tilespmem:s14+$0x4200] =	vst v4  }
0x28b: {  	v8 =	vshll.u32 v13, $0x10;
	v6 =	vadd.f32 v9, v6;
	v4 =	vmul.f32 $2.262741660e+01, v19;
	[tilespmem:s14+$0x4210] =	vst v5  }
0x28c: {  	v9 =	vand.u32 $0xFFFF0000, v13;
	v7 =	vadd.f32 v8, v7;
	v5 =	vmul.f32 $2.262741660e+01, v17;
	[tilespmem:s14+$0x4220] =	vst v3  }
0x28d: {  	[tilespmem:s14+$0x4230] =	vst v6;
	v3 =	vadd.f32 v9, v4  }
0x28e: {  	[tilespmem:s14+$0x4240] =	vst v7;
	v4 =	vadd.f32 v10, v5  }
0x28f: {  	[tilespmem:s14+$0x4250] =	vst v3  }
0x290: {  	s0 =	simm.s32 $0x0;
	[tilespmem:s14+$0x4260] =	vst v4  }
0x291: {  	s16 =	simm.s32 $0x0;
	s15 =	simm.s32 $0x0;
	s4 =	rddreg [dreg:$0xf]  }
0x292: {  	[hbm4b:s4+s0] =	stream.linear.scatter [tilespmem:s24], [sflag:$0x9], $0x4000, $0x38;
	[tilespmem:$0x1C200] =	vst v63  }
0x293: {  	s17 =	simm.s32 $0x0;
	s30 =	sand.u32 $0x3FFFFF00, s15;
	s4 =	sand.u32 $0xC, s16  }
0x294: {  	s0 =	sand.u32 $0x3000, s0;
	_ =	swait.ge [sflag:s6], $0x4000;
	s18 =	sshll.u32 s4, $0x8  }
0x295: {  	s13 =	sand.u32 $0x380, s17;
	[sflag:s6] =	ssyncset.done $0x0;
	s0 =	sor.u32 s18, s0  }
0x296: {  	s4 =	sshll.u32 s4, $0x4;
	[sflag:s6] =	ssyncadd.s32 $0xFFFFC000;
	s13 =	sor.u32 s0, s13  }
0x297: {  	s0 =	sor.u32 s4, s30;
	v3 =	vld [tilespmem:s13+$0x8270]  }
0x298: {  	v4 =	vld [tilespmem:s0+$0x2230]  }
0x299: {  	v5 =	vld [tilespmem:s13+$0x8200]  }
0x29a: {  	v6 =	vld [tilespmem:s13+$0x8210]  }
0x29b: {  	v7 =	vld [tilespmem:s13+$0x8220]  }
0x29c: {  	v8 =	vld [tilespmem:s13+$0x8230]  }
0x29d: {  	v9 =	vld [tilespmem:s13+$0x8240]  }
0x29e: {  	s15 =	simm.s32 $0x4;
	v10 =	vld [tilespmem:s13+$0x8250]  }
0x29f: {  	s16 =	simm.s32 $0x80;
	s4 =	sand.u32 $0xC, s15;
	v12 =	vld [tilespmem:s0+$0x2200]  }
0x2a0: {  	s31 =	simm.s32 $0x20;
	s14 =	sand.u32 $0x3000, s16;
	v11 =	vld [tilespmem:s13+$0x8260];
	s18 =	sshll.u32 s4, $0x8  }
0x2a1: {  	s17 =	sand.u32 $0x380, s31;
	s30 =	simm.s32 $0x40;
	v14 =	vld [tilespmem:s0+$0x2210];
	s14 =	sor.u32 s18, s14;
	v13 =	vmul.f32 $2.262741660e+01, v3  }
0x2a2: {  	s31 =	sand.u32 $0x3FFFFF00, s30;
	s4 =	sshll.u32 s4, $0x4;
	v16 =	vld [tilespmem:s0+$0x2220];
	s14 =	sor.u32 s14, s17;
	v3 =	vshll.u32 v4, $0x10;
	v15 =	vmul.f32 $2.262741660e+01, v5;
	v6 =	vmul.f32 $2.262741660e+01, v6  }
0x2a3: {  	s17 =	sor.u32 s4, s31;
	v18 =	vld [tilespmem:s14+$0x8270];
	v4 =	vand.u32 $0xFFFF0000, v4;
	v7 =	vmul.f32 $2.262741660e+01, v7;
	v17 =	vmul.f32 $2.262741660e+01, v8  }
0x2a4: {  	v20 =	vld [tilespmem:s17+$0x2230];
	v19 =	vmul.f32 $2.262741660e+01, v9;
	v5 =	vmul.f32 $2.262741660e+01, v10;
	v10 =	vshll.u32 v12, $0x10  }
0x2a5: {  	v12 =	vand.u32 $0xFFFF0000, v12;
	v8 =	vadd.f32 v4, v13;
	v4 =	vmul.f32 $2.262741660e+01, v11;
	v11 =	vld [tilespmem:s14+$0x8200]  }
0x2a6: {  	v9 =	vld [tilespmem:s14+$0x8210];
	v21 =	vshll.u32 v14, $0x10;
	v14 =	vand.u32 $0xFFFF0000, v14;
	v10 =	vadd.f32 v10, v15  }
0x2a7: {  	v22 =	vshll.u32 v16, $0x10;
	v12 =	vadd.f32 v12, v6;
	v13 =	vand.u32 $0xFFFF0000, v16;
	[tilespmem:s13+$0x8270] =	vst v8;
	v8 =	vld [tilespmem:s14+$0x8220]  }
0x2a8: {  	v6 =	vld [tilespmem:s14+$0x8230];
	v16 =	vadd.f32 v21, v7;
	v14 =	vadd.f32 v14, v17;
	v15 =	vmul.f32 $2.262741660e+01, v18;
	[tilespmem:s13+$0x8200] =	vst v10  }
0x2a9: {  	v7 =	vld [tilespmem:s14+$0x8240];
	v17 =	vand.u32 $0xFFFF0000, v20;
	v10 =	vshll.u32 v20, $0x10;
	[tilespmem:s13+$0x8210] =	vst v12;
	v12 =	vadd.f32 v22, v19  }
.LBB2_16:
0x2aa: {  	s15 =	sadd.s32 $0x4, s15;
	v18 =	vmul.f32 $2.262741660e+01, v11;
	v11 =	vld [tilespmem:s14+$0x8250];
	v15 =	vadd.f32 v17, v15;
	[tilespmem:s13+$0x8220] =	vst v16;
	v5 =	vadd.f32 v13, v5  }
0x2ab: {  	s16 =	sadd.s32 $0x80, s16;
	v4 =	vadd.f32 v3, v4;
	v3 =	vmov v10;
	s0 =	sand.u32 $0xC, s15;
	p0 =	slt.u32 s15, $0x1FC;
	v13 =	vmul.f32 $2.262741660e+01, v9;
	v9 =	vld [tilespmem:s14+$0x8260];
	[tilespmem:s13+$0x8230] =	vst v14  }
0x2ac: {  	s4 =	sand.u32 $0x3000, s16;
	s18 =	sshll.u32 s15, $0x3;
	s30 =	sshll.u32 s0, $0x8;
	v10 =	vld [tilespmem:s17+$0x2200];
	v14 =	vmul.f32 $2.262741660e+01, v8;
	[tilespmem:s14+$0x8270] =	vst v15  }
0x2ad: {  	s31 =	sshll.u32 s15, $0x4;
	s18 =	sand.u32 $0x380, s18;
	s4 =	sor.u32 s30, s4;
	v8 =	vld [tilespmem:s17+$0x2210];
	v17 =	vmul.f32 $2.262741660e+01, v6;
	[tilespmem:s13+$0x8240] =	vst v12  }
0x2ae: {  	s0 =	sshll.u32 s0, $0x4;
	s30 =	sand.u32 $0x3FFFFF00, s31;
	s4 =	sor.u32 s4, s18;
	v6 =	vld [tilespmem:s17+$0x2220];
	v12 =	vmul.f32 $2.262741660e+01, v7;
	[tilespmem:s13+$0x8250] =	vst v5  }
0x2af: {  	s17 =	sor.u32 s0, s30;
	v7 =	vld [tilespmem:s4+$0x8270];
	v5 =	vmul.f32 $2.262741660e+01, v11;
	[tilespmem:s13+$0x8260] =	vst v4;
	s13 =	smov.u32 s14;
	s14 =	smov.u32 s4  }
0x2b0: {  	v19 =	vld [tilespmem:s17+$0x2230];
	v4 =	vmul.f32 $2.262741660e+01, v9  }
.Ltmp7:
0x2b1: {  	v11 =	vld [tilespmem:s14+$0x8200];
	v15 =	vshll.u32 v10, $0x10;
	v10 =	vand.u32 $0xFFFF0000, v10;
	(pc) =	sbr.rel @p0 .LBB2_16-.Ltmp7, $4  }
0x2b2: {  	v9 =	vld [tilespmem:s14+$0x8210];
	v16 =	vadd.f32 v15, v18;
	v18 =	vshll.u32 v8, $0x10;
	v20 =	vand.u32 $0xFFFF0000, v8  }
0x2b3: {  	v21 =	vadd.f32 v10, v13;
	v8 =	vld [tilespmem:s14+$0x8220];
	v22 =	vshll.u32 v6, $0x10;
	v13 =	vand.u32 $0xFFFF0000, v6  }
0x2b4: {  	v6 =	vld [tilespmem:s14+$0x8230];
	v15 =	vmul.f32 $2.262741660e+01, v7;
	[tilespmem:s13+$0x8200] =	vst v16;
	v16 =	vadd.f32 v18, v14;
	v14 =	vadd.f32 v20, v17  }
0x2b5: {  	v12 =	vadd.f32 v22, v12;
	v7 =	vld [tilespmem:s14+$0x8240];
	v10 =	vshll.u32 v19, $0x10;
	v17 =	vand.u32 $0xFFFF0000, v19;
	[tilespmem:s13+$0x8210] =	vst v21  }
0x2b6: {  	v18 =	vld [tilespmem:s17+$0x2200];
	_ =	sdelay $0x1  }
0x2b7: {  	[tilespmem:s13+$0x8220] =	vst v16;
	v53 =	vld [tilespmem:s17+$0x2210]  }
0x2b8: {  	v15 =	vadd.f32 v17, v15;
	[tilespmem:s13+$0x8230] =	vst v14;
	v54 =	vld [tilespmem:s14+$0x8260]  }
0x2b9: {  	v11 =	vmul.f32 $2.262741660e+01, v11;
	v5 =	vadd.f32 v13, v5;
	v55 =	vld [tilespmem:s17+$0x2220];
	[tilespmem:s13+$0x8240] =	vst v12  }
0x2ba: {  	v19 =	vld [tilespmem:s14+$0x8250];
	v3 =	vadd.f32 v3, v4;
	v9 =	vmul.f32 $2.262741660e+01, v9;
	[tilespmem:s14+$0x8270] =	vst v15;
	v56 =	vshll.u32 v18, $0x10  }
0x2bb: {  	v8 =	vmul.f32 $2.262741660e+01, v8;
	[tilespmem:s13+$0x8250] =	vst v5;
	v57 =	vand.u32 $0xFFFF0000, v18;
	v4 =	vadd.f32 v56, v11  }
0x2bc: {  	[tilespmem:s13+$0x8260] =	vst v3;
	v6 =	vmul.f32 $2.262741660e+01, v6;
	v3 =	vshll.u32 v53, $0x10;
	v5 =	vadd.f32 v57, v9  }
0x2bd: {  	v7 =	vmul.f32 $2.262741660e+01, v7;
	v58 =	vand.u32 $0xFFFF0000, v53;
	v3 =	vadd.f32 v3, v8;
	[tilespmem:s14+$0x8200] =	vst v4  }
0x2be: {  	v60 =	vshll.u32 v55, $0x10;
	v61 =	vmul.f32 $2.262741660e+01, v54;
	v6 =	vadd.f32 v58, v6;
	[tilespmem:s14+$0x8210] =	vst v5  }
0x2bf: {  	v59 =	vmul.f32 $2.262741660e+01, v19;
	v7 =	vadd.f32 v60, v7;
	[tilespmem:s14+$0x8220] =	vst v3  }
0x2c0: {  	v62 =	vand.u32 $0xFFFF0000, v55;
	v63 =	vadd.f32 v10, v61;
	[tilespmem:s14+$0x8230] =	vst v6  }
0x2c1: {  	v3 =	vadd.f32 v62, v59;
	[tilespmem:s14+$0x8240] =	vst v7  }
0x2c2: {  	[tilespmem:s14+$0x8260] =	vst v63  }
0x2c3: {  	[tilespmem:s14+$0x8250] =	vst v3  }
0x2c4: {  	s0 =	rddreg [dreg:$0x10]  }
0x2c5: {  	[hbm4b:s0+s3] =	stream.linear.scatter [tilespmem:s2], [sflag:$0xA], $0x4000, $0x38;
	[tilespmem:$0x1C200] =	vst v63  }
0x2c6: {  	_ =	swait.ge [sflag:s26], $0x4000  }
0x2c7: {  	[sflag:s26] =	ssyncset.done $0x0  }
0x2c8: {  	[sflag:s26] =	ssyncadd.s32 $0xFFFFC000  }
0x2c9: {  	_ =	swait.ge [sflag:s28], $0x4000  }
0x2ca: {  	[sflag:s28] =	ssyncset.done $0x0  }
0x2cb: {  	[sflag:s28] =	ssyncadd.s32 $0xFFFFC000  }
0x2cc: {  	_ =	swait.ge [sflag:s29], $0x4000  }
0x2cd: {  	[sflag:s29] =	ssyncset.done $0x0  }
0x2ce: {  	[sflag:s29] =	ssyncadd.s32 $0xFFFFC000  }
0x2cf: {  	_ =	swait.ge [sflag:s11], $0x4000  }
0x2d0: {  	[sflag:s11] =	ssyncset.done $0x0  }
0x2d1: {  	[sflag:s11] =	ssyncadd.s32 $0xFFFFC000  }
0x2d2: {  	_ =	swait.ge [sflag:s20], $0x4000  }
0x2d3: {  	[sflag:s20] =	ssyncset.done $0x0  }
0x2d4: {  	[sflag:s20] =	ssyncadd.s32 $0xFFFFC000  }
0x2d5: {  	_ =	swait.ge [sflag:s21], $0x4000  }
0x2d6: {  	s12 =	sadd.s32 $0x1, s12;
	s31 =	rddreg [dreg:$0x11]  }
0x2d7: {  	p0 =	sne.s32 s12, s31  }
.Ltmp8:
0x2d8: {  	_ = 	snop;
	(pc) =	sbr.rel @p0 .LBB2_1-.Ltmp8, $3  }
0x2d9: {  	_ =	sdelay $0x1  }
0x2da: {  	[sflag:s21] =	ssyncset.done $0x0  }
0x2db: {  	[sflag:s21] =	ssyncadd.s32 $0xFFFFC000  }
0x2dc: {  	_ =	sfence.sel $0x180000  }
0x2dd: {  	[bflag:$0x0] =	sbarrier.arrive $0xFFFF  }
0x2de: {  	_ =	strace $0x90000047  }
0x2df: {  	s0 =	stileid.u32;
	[bflag:$0x2] =	sbarrier.arrive $0xFFFF  }
0x2e0: {  	p0 =	sne.s32 s0, $0x0;
	s0 =	rddreg [dreg:$0x4]  }
0x2e1: {  	s0 =	sadd.s32 @!p0 $0x100000, s0  }
0x2e2: {  	[sflag:s0] =	ssyncadd.tile.s32 @!p0 $0x1;
	_ =	shalt  }
.Lfunc_end2:
_tile_overlayer_lowered:
.L_overlay_start_2:
0x2e3: {  	(tag) =	ssettag $0x2  }
0x2e4: {  	s0 =	rddreg [dreg:$0x0];
	s2 =	stileid.u32  }
0x2e5: {  	s1 =	rddreg [dreg:$0x1];
	p0 =	sne.s32 s2, $0x0  }
0x2e6: {  	s3 =	rddreg [dreg:$0x2];
	[bflag:$0x3] =	sbarrier.arrive $0xFFFF;
	s2 =	simm.s32 @!p0 $0x1C0F  }
0x2e7: {  	[timem:s3], [sflag:s2] =	dma.local @!p0 [hbm:s0], s1  }
0x2e8: {  	s0 =	simm.s32 @!p0 $0xF  }
0x2e9: {  	_ =	swait.ge @!p0 [sflag:s0], s1  }
0x2ea: {  	s1 =	ssub.s32 @!p0 $0x0, s1;
	[sflag:s0] =	ssyncset.done @!p0 $0x0  }
0x2eb: {  	[sflag:s0] =	ssyncadd.s32 @!p0 s1  }
0x2ec: {  	[bflag:$0x3] =	sbarrier.arrive $0xFFFF  }
0x2ed: {  	_ =	shalt  }

</sc_bundles>
